<compile_context>
chip_gen: v7x
topology: tpu7x:2x2x1
jax: 0.10.2.dev20260603
libtpu: 0.0.44.dev20260713+nightly
codegen_flags: <defaults>
</compile_context>

<pallas_src>
import functools

import numpy as np
import jax
import jax.numpy as jnp
from jax import lax
from jax.experimental import pallas as pl
from jax.experimental.pallas import tpu as pltpu
from jax.experimental.pallas import tpu_sc as plsc

N = 10000
E = 320000
D = 128
C = 64

NC = 2
NS = 16
NW = NC * NS
CHUNK = 128
EPAD = ((E + NW * CHUNK * 8 - 1) // (NW * CHUNK * 8)) * (NW * CHUNK * 8)
NCHUNKS = EPAD // CHUNK
CPW = NCHUNKS // NW
NPAD = 10112
RPT = NPAD // NS


def _sc_prop_body(table, src_idx, dst_idx, out, src_slab, dst_slab,
                  rows0, rows1, zbuf, sem0, sem1, tbl_sp, acc):
    c = lax.axis_index("c")
    s = lax.axis_index("s")
    w = s * NC + c
    r0 = s * RPT

    pltpu.sync_copy(table.at[pl.ds(r0, RPT)], tbl_sp.at[pl.ds(r0, RPT)])

    z16 = jnp.zeros((16,), jnp.float32)

    def zrow(i, carry):
        zbuf[i, pl.ds(0, 16)] = z16
        zbuf[i, pl.ds(16, 16)] = z16
        zbuf[i, pl.ds(32, 16)] = z16
        zbuf[i, pl.ds(48, 16)] = z16
        return carry

    lax.fori_loop(0, CHUNK, zrow, 0)
    for k in range(RPT // CHUNK):
        pltpu.sync_copy(zbuf, acc.at[pl.ds(r0 + k * CHUNK, CHUNK)])
    rem = RPT % CHUNK
    if rem:
        pltpu.sync_copy(zbuf.at[pl.ds(0, rem)],
                        acc.at[pl.ds(r0 + (RPT // CHUNK) * CHUNK, rem)])

    base = w * CPW
    pltpu.sync_copy(src_idx.at[pl.ds(base * CHUNK, CPW * CHUNK)], src_slab)
    pltpu.sync_copy(dst_idx.at[pl.ds(base, CPW)], dst_slab)
    plsc.subcore_barrier()

    bufs = (rows0, rows1)
    sems = (sem0, sem1)
    pltpu.async_copy(tbl_sp.at[src_slab.at[pl.ds(0, CHUNK)]], bufs[0], sems[0])

    def body(j, carry):
        i = 8 * j
        for k in range(8):
            nxt = jnp.minimum(i + k + 1, CPW - 1)
            pltpu.async_copy(tbl_sp.at[src_slab.at[pl.ds(nxt * CHUNK, CHUNK)]],
                             bufs[(k + 1) % 2], sems[(k + 1) % 2])
            pltpu.make_async_copy(tbl_sp.at[src_slab.at[pl.ds((i + k) * CHUNK, CHUNK)]],
                                  bufs[k % 2], sems[k % 2]).wait()
            pltpu.sync_copy(bufs[k % 2], acc.at[dst_slab.at[i + k]], add=True)
        return carry

    lax.fori_loop(0, CPW // 8, body, 0)
    pltpu.make_async_copy(tbl_sp.at[src_slab.at[pl.ds((CPW - 1) * CHUNK, CHUNK)]],
                          bufs[0], sems[0]).wait()
    plsc.subcore_barrier()
    pltpu.sync_copy(acc.at[pl.ds(r0, RPT)], out.at[c, pl.ds(r0, RPT)])


_sc_prop = functools.partial(
    pl.kernel,
    mesh=plsc.VectorSubcoreMesh(core_axis_name="c", subcore_axis_name="s"),
    out_type=jax.ShapeDtypeStruct((NC, NPAD, C), jnp.float32),
    scratch_types=[
        pltpu.VMEM((CPW * CHUNK,), jnp.int32),
        pltpu.VMEM((CPW, CHUNK), jnp.int32),
        pltpu.VMEM((CHUNK, C), jnp.float32),
        pltpu.VMEM((CHUNK, C), jnp.float32),
        pltpu.VMEM((CHUNK, C), jnp.float32),
        pltpu.SemaphoreType.DMA,
        pltpu.SemaphoreType.DMA,
        pltpu.VMEM_SHARED((NPAD, C), jnp.float32),
        pltpu.VMEM_SHARED((NPAD, C), jnp.float32),
    ],
    compiler_params=pltpu.CompilerParams(use_tc_tiling_on_sc=False),
)(_sc_prop_body)


def _mm_body(x_ref, wt_ref, o_ref):
    o_ref[pl.ds(0, N), :] = jnp.dot(x_ref[...], wt_ref[...],
                                    preferred_element_type=jnp.float32)


def _linear(feat, wt):
    return pl.pallas_call(
        _mm_body,
        out_shape=jax.ShapeDtypeStruct((NPAD, C), jnp.float32),
    )(feat, wt)


def _comb_body(p_ref, o_ref):
    o_ref[...] = p_ref[0] + p_ref[1]


def _combine(partials):
    return pl.pallas_call(
        _comb_body,
        out_shape=jax.ShapeDtypeStruct((NPAD, C), jnp.float32),
    )(partials)


def _comb_bias_body(p_ref, b_ref, o_ref):
    o_ref[...] = p_ref[0, :N, :] + p_ref[1, :N, :] + b_ref[...]


def _combine_bias(partials, bias2d):
    return pl.pallas_call(
        _comb_bias_body,
        out_shape=jax.ShapeDtypeStruct((N, C), jnp.float32),
    )(partials, bias2d)


_PAD_DST = np.int32(N) + np.arange(EPAD - E, dtype=np.int32) % np.int32(NPAD - N)


def kernel(feat, edge_index, feat_ori, W, b):
    src = edge_index[0]
    dst = edge_index[1]
    src_p = jnp.concatenate(
        [src, jnp.zeros((EPAD - E,), jnp.int32)])
    dst_p = jnp.concatenate(
        [dst, jnp.asarray(_PAD_DST)]).reshape(NCHUNKS, CHUNK)

    y0 = _linear(feat, W.T)
    p1 = _sc_prop(y0, src_p, dst_p)
    h1 = _combine(p1)
    p2 = _sc_prop(h1, src_p, dst_p)
    return _combine_bias(p2, b.reshape(1, C))

# --- scband reference (transcript-rebuilt; emitter-appended) ---
"""Pipeline reference for scband-sgcres-10316511445629 (READ-ONLY COPY).

The authoritative reference and input builder live on the scoring server;
editing this copy changes nothing except your own understanding.
"""

import jax, jax.numpy as jnp
import numpy as np

N = 10000
E = 320000
D = 128
C = 64
K = 2
ALPHA = 0.1

def setup_inputs(seed: int = 0) -> dict:
    key = jax.random.key(seed)
    k1, k2, k3, k4 = jax.random.split(key, 4)
    feat = jax.random.normal(k1, (N, D), dtype=jnp.float32)
    feat_ori = jax.random.normal(k2, (N, D), dtype=jnp.float32)
    edge_index = jax.random.randint(k3, (2, E), 0, N, dtype=jnp.int32)
    # fc: nn.Linear(in_feats, n_classes), xavier_uniform weight, zero bias
    lim = float(np.sqrt(6.0 / (D + C)))
    W = jax.random.uniform(k4, (C, D), minval=-lim, maxval=lim, dtype=jnp.float32)
    b = jnp.zeros((C,), dtype=jnp.float32)
    return {"feat": feat, "edge_index": edge_index, "feat_ori": feat_ori, "W": W, "b": b}

def reference(feat, edge_index, feat_ori, W, b):
    # SGCRes.forward: feat_ori cached; precompute = mulAdj(adj, K) = adj^(2^(K-1))
    # With K=2 -> adj^2, applied as two sparse matmuls via scatter-add (segment_sum).
    src = edge_index[0]
    dst = edge_index[1]
    # residual blend (computed then overwritten in the original code -- kept faithful)
    h = (1.0 - ALPHA) * feat + ALPHA * feat_ori
    # h = precompute @ feat  (note: original uses `feat`, not the blended h)
    h = jax.ops.segment_sum(jnp.take(feat, src, axis=0), dst, num_segments=N)
    h = jax.ops.segment_sum(jnp.take(h, src, axis=0), dst, num_segments=N)
    # fc
    out = h @ W.T + b
    # norm is None -> no normalization
    return out

if __name__ == "__main__":
    import jax
    _d = setup_inputs()
    print(jax.jit(kernel)(*tuple(_d.values())))

</pallas_src>

<mosaic_0001>
#map = affine_map<(d0, d1) -> (0, 0)>
#map1 = affine_map<(d0, d1) -> (0)>
#map2 = affine_map<(d0, d1) -> (0, 0, 0)>
module attributes {stable_mosaic.version = 14 : i64} {
  func.func @_sc_prop_body(%arg0: i32, %arg1: i32, %arg2: memref<10112x64xf32, #tpu.memory_space<hbm>>, %arg3: memref<327680xi32, #tpu.memory_space<hbm>>, %arg4: memref<2560x128xi32, #tpu.memory_space<hbm>>, %arg5: memref<2x10112x64xf32, #tpu.memory_space<hbm>>, %arg6: memref<10240xi32, #tpu.memory_space<vmem>>, %arg7: memref<80x128xi32, #tpu.memory_space<vmem>>, %arg8: memref<128x64xf32, #tpu.memory_space<vmem>>, %arg9: memref<128x64xf32, #tpu.memory_space<vmem>>, %arg10: memref<128x64xf32, #tpu.memory_space<vmem>>, %arg11: memref<!tpu.dma_semaphore, #tpu.memory_space<semaphore_mem>>, %arg12: memref<!tpu.dma_semaphore, #tpu.memory_space<semaphore_mem>>, %arg13: memref<10112x64xf32, #tpu.memory_space<vmem_shared>>, %arg14: memref<10112x64xf32, #tpu.memory_space<vmem_shared>>) attributes {dimension_semantics = [#tpu.dimension_semantics<core_parallel>, #tpu.dimension_semantics<subcore_parallel>], iteration_bounds = array<i64: 2, 16>, scalar_prefetch = 0 : i64, scratch_operands = 9 : i64, tpu.core_type = #tpu.core_type<sc_vector_subcore>, window_params = [{transform_indices = #map}, {transform_indices = #map1}, {transform_indices = #map}, {transform_indices = #map2}]} {
    %mul3A = arith.constant 2 : i32
    %mul3A_0 = arith.muli %arg1, %mul3A : i32
    %add3A = arith.addi %mul3A_0, %arg0 : i32
    %mul3A_1 = arith.constant 632 : i32
    %mul3A_2 = arith.muli %arg1, %mul3A_1 : i32
    "tpu.region"() ({
      %run_scoped3A = tpu.sem_alloc : memref<!tpu.dma_semaphore, #tpu.memory_space<semaphore_mem>>
      %dma_start3A_38 = arith.constant 0 : i32
      %dma_start3A_39 = tpu.memref_slice %arg13[%mul3A_2, %dma_start3A_38] : memref<10112x64xf32, #tpu.memory_space<vmem_shared>> -> memref<632x64xf32, #tpu.memory_space<vmem_shared>>
      %dma_start3A_40 = arith.constant 0 : i32
      %dma_start3A_41 = tpu.memref_slice %arg2[%mul3A_2, %dma_start3A_40] : memref<10112x64xf32, #tpu.memory_space<hbm>> -> memref<632x64xf32, #tpu.memory_space<hbm>>
      tpu.enqueue_dma source(%dma_start3A_41 : memref<632x64xf32, #tpu.memory_space<hbm>>) target(%dma_start3A_39 : memref<632x64xf32, #tpu.memory_space<vmem_shared>>) target_semaphore(%run_scoped3A : memref<!tpu.dma_semaphore, #tpu.memory_space<semaphore_mem>>)
      %dma_wait3A_42 = arith.constant 0 : i32
      %dma_wait3A_43 = tpu.memref_slice %arg13[%mul3A_2, %dma_wait3A_42] : memref<10112x64xf32, #tpu.memory_space<vmem_shared>> -> memref<632x64xf32, #tpu.memory_space<vmem_shared>>
      %dma_wait3A_44 = arith.constant 0 : i32
      %dma_wait3A_45 = tpu.memref_slice %arg2[%mul3A_2, %dma_wait3A_44] : memref<10112x64xf32, #tpu.memory_space<hbm>> -> memref<632x64xf32, #tpu.memory_space<hbm>>
      tpu.wait_dma2 semaphore(%run_scoped3A : memref<!tpu.dma_semaphore, #tpu.memory_space<semaphore_mem>>) src(%dma_wait3A_45 : memref<632x64xf32, #tpu.memory_space<hbm>>) dst(%dma_wait3A_43 : memref<632x64xf32, #tpu.memory_space<vmem_shared>>)
      tpu.yield
    }) : () -> ()
    %broadcast_in_dim3A = arith.constant 0.000000e+00 : f32
    %broadcast_in_dim3A_3 = vector.broadcast %broadcast_in_dim3A : f32 to vector<16xf32>
    %scan3A = arith.constant 0 : i32
    %scan3A_4 = arith.constant 0 : i32
    %scan3A_5 = arith.constant 128 : i32
    %scan3A_6 = arith.addi %scan3A_4, %scan3A_5 : i32
    %scan3A_7 = arith.constant 1 : i32
    scf.for %scan3A_38 = %scan3A_4 to %scan3A_6 step %scan3A_7  : i32 {
      %swap3A = arith.index_cast %scan3A_38 : i32 to index
      %swap3A_39 = arith.constant 0 : index
      %swap3A_40 = tpu.vector_load %arg10[%swap3A, %swap3A_39] {strides = array<i32>} : memref<128x64xf32, #tpu.memory_space<vmem>>, vector<1x16xf32>,
      %swap3A_41 = vector.shape_cast %swap3A_40 : vector<1x16xf32> to vector<16xf32>
      %swap3A_42 = vector.shape_cast %broadcast_in_dim3A_3 : vector<16xf32> to vector<1x16xf32>
      tpu.vector_store %arg10[%swap3A, %swap3A_39], %swap3A_42 {strides = array<i32>} : memref<128x64xf32, #tpu.memory_space<vmem>>, vector<1x16xf32>,
      %swap3A_43 = arith.index_cast %scan3A_38 : i32 to index
      %swap3A_44 = arith.constant 16 : index
      %swap3A_45 = tpu.vector_load %arg10[%swap3A_43, %swap3A_44] {strides = array<i32>} : memref<128x64xf32, #tpu.memory_space<vmem>>, vector<1x16xf32>,
      %swap3A_46 = vector.shape_cast %swap3A_45 : vector<1x16xf32> to vector<16xf32>
      %swap3A_47 = vector.shape_cast %broadcast_in_dim3A_3 : vector<16xf32> to vector<1x16xf32>
      tpu.vector_store %arg10[%swap3A_43, %swap3A_44], %swap3A_47 {strides = array<i32>} : memref<128x64xf32, #tpu.memory_space<vmem>>, vector<1x16xf32>,
      %swap3A_48 = arith.index_cast %scan3A_38 : i32 to index
      %swap3A_49 = arith.constant 32 : index
      %swap3A_50 = tpu.vector_load %arg10[%swap3A_48, %swap3A_49] {strides = array<i32>} : memref<128x64xf32, #tpu.memory_space<vmem>>, vector<1x16xf32>,
      %swap3A_51 = vector.shape_cast %swap3A_50 : vector<1x16xf32> to vector<16xf32>
      %swap3A_52 = vector.shape_cast %broadcast_in_dim3A_3 : vector<16xf32> to vector<1x16xf32>
      tpu.vector_store %arg10[%swap3A_48, %swap3A_49], %swap3A_52 {strides = array<i32>} : memref<128x64xf32, #tpu.memory_space<vmem>>, vector<1x16xf32>,
      %swap3A_53 = arith.index_cast %scan3A_38 : i32 to index
      %swap3A_54 = arith.constant 48 : index
      %swap3A_55 = tpu.vector_load %arg10[%swap3A_53, %swap3A_54] {strides = array<i32>} : memref<128x64xf32, #tpu.memory_space<vmem>>, vector<1x16xf32>,
      %swap3A_56 = vector.shape_cast %swap3A_55 : vector<1x16xf32> to vector<16xf32>
      %swap3A_57 = vector.shape_cast %broadcast_in_dim3A_3 : vector<16xf32> to vector<1x16xf32>
      tpu.vector_store %arg10[%swap3A_53, %swap3A_54], %swap3A_57 {strides = array<i32>} : memref<128x64xf32, #tpu.memory_space<vmem>>, vector<1x16xf32>,
    }
    %scan3A_8 = arith.constant 128 : i32
    %add3A_9 = arith.constant 0 : i32
    %add3A_10 = arith.addi %mul3A_2, %add3A_9 : i32
    "tpu.region"() ({
      %run_scoped3A = tpu.sem_alloc : memref<!tpu.dma_semaphore, #tpu.memory_space<semaphore_mem>>
      %dma_start3A_38 = arith.constant 0 : i32
      %dma_start3A_39 = tpu.memref_slice %arg14[%add3A_10, %dma_start3A_38] : memref<10112x64xf32, #tpu.memory_space<vmem_shared>> -> memref<128x64xf32, #tpu.memory_space<vmem_shared>>
      %dma_start3A_40 = arith.constant 0 : i32
      %dma_start3A_41 = tpu.memref_slice %arg14[%add3A_10, %dma_start3A_40] : memref<10112x64xf32, #tpu.memory_space<vmem_shared>> -> memref<128x64xf32, #tpu.memory_space<vmem_shared>>
      tpu.enqueue_dma source(%arg10 : memref<128x64xf32, #tpu.memory_space<vmem>>) target(%dma_start3A_41 : memref<128x64xf32, #tpu.memory_space<vmem_shared>>) target_semaphore(%run_scoped3A : memref<!tpu.dma_semaphore, #tpu.memory_space<semaphore_mem>>)
      %dma_wait3A_42 = arith.constant 0 : i32
      %dma_wait3A_43 = tpu.memref_slice %arg14[%add3A_10, %dma_wait3A_42] : memref<10112x64xf32, #tpu.memory_space<vmem_shared>> -> memref<128x64xf32, #tpu.memory_space<vmem_shared>>
      %dma_wait3A_44 = arith.constant 0 : i32
      %dma_wait3A_45 = tpu.memref_slice %arg14[%add3A_10, %dma_wait3A_44] : memref<10112x64xf32, #tpu.memory_space<vmem_shared>> -> memref<128x64xf32, #tpu.memory_space<vmem_shared>>
      tpu.wait_dma2 semaphore(%run_scoped3A : memref<!tpu.dma_semaphore, #tpu.memory_space<semaphore_mem>>) src(%arg10 : memref<128x64xf32, #tpu.memory_space<vmem>>) dst(%dma_wait3A_45 : memref<128x64xf32, #tpu.memory_space<vmem_shared>>)
      tpu.yield
    }) : () -> ()
    %add3A_11 = arith.constant 128 : i32
    %add3A_12 = arith.addi %mul3A_2, %add3A_11 : i32
    "tpu.region"() ({
      %run_scoped3A = tpu.sem_alloc : memref<!tpu.dma_semaphore, #tpu.memory_space<semaphore_mem>>
      %dma_start3A_38 = arith.constant 0 : i32
      %dma_start3A_39 = tpu.memref_slice %arg14[%add3A_12, %dma_start3A_38] : memref<10112x64xf32, #tpu.memory_space<vmem_shared>> -> memref<128x64xf32, #tpu.memory_space<vmem_shared>>
      %dma_start3A_40 = arith.constant 0 : i32
      %dma_start3A_41 = tpu.memref_slice %arg14[%add3A_12, %dma_start3A_40] : memref<10112x64xf32, #tpu.memory_space<vmem_shared>> -> memref<128x64xf32, #tpu.memory_space<vmem_shared>>
      tpu.enqueue_dma source(%arg10 : memref<128x64xf32, #tpu.memory_space<vmem>>) target(%dma_start3A_41 : memref<128x64xf32, #tpu.memory_space<vmem_shared>>) target_semaphore(%run_scoped3A : memref<!tpu.dma_semaphore, #tpu.memory_space<semaphore_mem>>)
      %dma_wait3A_42 = arith.constant 0 : i32
      %dma_wait3A_43 = tpu.memref_slice %arg14[%add3A_12, %dma_wait3A_42] : memref<10112x64xf32, #tpu.memory_space<vmem_shared>> -> memref<128x64xf32, #tpu.memory_space<vmem_shared>>
      %dma_wait3A_44 = arith.constant 0 : i32
      %dma_wait3A_45 = tpu.memref_slice %arg14[%add3A_12, %dma_wait3A_44] : memref<10112x64xf32, #tpu.memory_space<vmem_shared>> -> memref<128x64xf32, #tpu.memory_space<vmem_shared>>
      tpu.wait_dma2 semaphore(%run_scoped3A : memref<!tpu.dma_semaphore, #tpu.memory_space<semaphore_mem>>) src(%arg10 : memref<128x64xf32, #tpu.memory_space<vmem>>) dst(%dma_wait3A_45 : memref<128x64xf32, #tpu.memory_space<vmem_shared>>)
      tpu.yield
    }) : () -> ()
    %add3A_13 = arith.constant 256 : i32
    %add3A_14 = arith.addi %mul3A_2, %add3A_13 : i32
    "tpu.region"() ({
      %run_scoped3A = tpu.sem_alloc : memref<!tpu.dma_semaphore, #tpu.memory_space<semaphore_mem>>
      %dma_start3A_38 = arith.constant 0 : i32
      %dma_start3A_39 = tpu.memref_slice %arg14[%add3A_14, %dma_start3A_38] : memref<10112x64xf32, #tpu.memory_space<vmem_shared>> -> memref<128x64xf32, #tpu.memory_space<vmem_shared>>
      %dma_start3A_40 = arith.constant 0 : i32
      %dma_start3A_41 = tpu.memref_slice %arg14[%add3A_14, %dma_start3A_40] : memref<10112x64xf32, #tpu.memory_space<vmem_shared>> -> memref<128x64xf32, #tpu.memory_space<vmem_shared>>
      tpu.enqueue_dma source(%arg10 : memref<128x64xf32, #tpu.memory_space<vmem>>) target(%dma_start3A_41 : memref<128x64xf32, #tpu.memory_space<vmem_shared>>) target_semaphore(%run_scoped3A : memref<!tpu.dma_semaphore, #tpu.memory_space<semaphore_mem>>)
      %dma_wait3A_42 = arith.constant 0 : i32
      %dma_wait3A_43 = tpu.memref_slice %arg14[%add3A_14, %dma_wait3A_42] : memref<10112x64xf32, #tpu.memory_space<vmem_shared>> -> memref<128x64xf32, #tpu.memory_space<vmem_shared>>
      %dma_wait3A_44 = arith.constant 0 : i32
      %dma_wait3A_45 = tpu.memref_slice %arg14[%add3A_14, %dma_wait3A_44] : memref<10112x64xf32, #tpu.memory_space<vmem_shared>> -> memref<128x64xf32, #tpu.memory_space<vmem_shared>>
      tpu.wait_dma2 semaphore(%run_scoped3A : memref<!tpu.dma_semaphore, #tpu.memory_space<semaphore_mem>>) src(%arg10 : memref<128x64xf32, #tpu.memory_space<vmem>>) dst(%dma_wait3A_45 : memref<128x64xf32, #tpu.memory_space<vmem_shared>>)
      tpu.yield
    }) : () -> ()
    %add3A_15 = arith.constant 384 : i32
    %add3A_16 = arith.addi %mul3A_2, %add3A_15 : i32
    "tpu.region"() ({
      %run_scoped3A = tpu.sem_alloc : memref<!tpu.dma_semaphore, #tpu.memory_space<semaphore_mem>>
      %dma_start3A_38 = arith.constant 0 : i32
      %dma_start3A_39 = tpu.memref_slice %arg14[%add3A_16, %dma_start3A_38] : memref<10112x64xf32, #tpu.memory_space<vmem_shared>> -> memref<128x64xf32, #tpu.memory_space<vmem_shared>>
      %dma_start3A_40 = arith.constant 0 : i32
      %dma_start3A_41 = tpu.memref_slice %arg14[%add3A_16, %dma_start3A_40] : memref<10112x64xf32, #tpu.memory_space<vmem_shared>> -> memref<128x64xf32, #tpu.memory_space<vmem_shared>>
      tpu.enqueue_dma source(%arg10 : memref<128x64xf32, #tpu.memory_space<vmem>>) target(%dma_start3A_41 : memref<128x64xf32, #tpu.memory_space<vmem_shared>>) target_semaphore(%run_scoped3A : memref<!tpu.dma_semaphore, #tpu.memory_space<semaphore_mem>>)
      %dma_wait3A_42 = arith.constant 0 : i32
      %dma_wait3A_43 = tpu.memref_slice %arg14[%add3A_16, %dma_wait3A_42] : memref<10112x64xf32, #tpu.memory_space<vmem_shared>> -> memref<128x64xf32, #tpu.memory_space<vmem_shared>>
      %dma_wait3A_44 = arith.constant 0 : i32
      %dma_wait3A_45 = tpu.memref_slice %arg14[%add3A_16, %dma_wait3A_44] : memref<10112x64xf32, #tpu.memory_space<vmem_shared>> -> memref<128x64xf32, #tpu.memory_space<vmem_shared>>
      tpu.wait_dma2 semaphore(%run_scoped3A : memref<!tpu.dma_semaphore, #tpu.memory_space<semaphore_mem>>) src(%arg10 : memref<128x64xf32, #tpu.memory_space<vmem>>) dst(%dma_wait3A_45 : memref<128x64xf32, #tpu.memory_space<vmem_shared>>)
      tpu.yield
    }) : () -> ()
    %add3A_17 = arith.constant 512 : i32
    %add3A_18 = arith.addi %mul3A_2, %add3A_17 : i32
    "tpu.region"() ({
      %run_scoped3A = tpu.sem_alloc : memref<!tpu.dma_semaphore, #tpu.memory_space<semaphore_mem>>
      %dma_start3A_38 = arith.constant 0 : i32
      %dma_start3A_39 = arith.constant 0 : i32
      %dma_start3A_40 = tpu.memref_slice %arg10[%dma_start3A_38, %dma_start3A_39] : memref<128x64xf32, #tpu.memory_space<vmem>> -> memref<120x64xf32, #tpu.memory_space<vmem>>
      %dma_start3A_41 = arith.constant 0 : i32
      %dma_start3A_42 = tpu.memref_slice %arg14[%add3A_18, %dma_start3A_41] : memref<10112x64xf32, #tpu.memory_space<vmem_shared>> -> memref<120x64xf32, #tpu.memory_space<vmem_shared>>
      %dma_start3A_43 = arith.constant 0 : i32
      %dma_start3A_44 = tpu.memref_slice %arg14[%add3A_18, %dma_start3A_43] : memref<10112x64xf32, #tpu.memory_space<vmem_shared>> -> memref<120x64xf32, #tpu.memory_space<vmem_shared>>
      %dma_start3A_45 = arith.constant 0 : i32
      %dma_start3A_46 = arith.constant 0 : i32
      %dma_start3A_47 = tpu.memref_slice %arg10[%dma_start3A_45, %dma_start3A_46] : memref<128x64xf32, #tpu.memory_space<vmem>> -> memref<120x64xf32, #tpu.memory_space<vmem>>
      tpu.enqueue_dma source(%dma_start3A_47 : memref<120x64xf32, #tpu.memory_space<vmem>>) target(%dma_start3A_44 : memref<120x64xf32, #tpu.memory_space<vmem_shared>>) target_semaphore(%run_scoped3A : memref<!tpu.dma_semaphore, #tpu.memory_space<semaphore_mem>>)
      %dma_wait3A_48 = arith.constant 0 : i32
      %dma_wait3A_49 = arith.constant 0 : i32
      %dma_wait3A_50 = tpu.memref_slice %arg10[%dma_wait3A_48, %dma_wait3A_49] : memref<128x64xf32, #tpu.memory_space<vmem>> -> memref<120x64xf32, #tpu.memory_space<vmem>>
      %dma_wait3A_51 = arith.constant 0 : i32
      %dma_wait3A_52 = tpu.memref_slice %arg14[%add3A_18, %dma_wait3A_51] : memref<10112x64xf32, #tpu.memory_space<vmem_shared>> -> memref<120x64xf32, #tpu.memory_space<vmem_shared>>
      %dma_wait3A_53 = arith.constant 0 : i32
      %dma_wait3A_54 = tpu.memref_slice %arg14[%add3A_18, %dma_wait3A_53] : memref<10112x64xf32, #tpu.memory_space<vmem_shared>> -> memref<120x64xf32, #tpu.memory_space<vmem_shared>>
      %dma_wait3A_55 = arith.constant 0 : i32
      %dma_wait3A_56 = arith.constant 0 : i32
      %dma_wait3A_57 = tpu.memref_slice %arg10[%dma_wait3A_55, %dma_wait3A_56] : memref<128x64xf32, #tpu.memory_space<vmem>> -> memref<120x64xf32, #tpu.memory_space<vmem>>
      tpu.wait_dma2 semaphore(%run_scoped3A : memref<!tpu.dma_semaphore, #tpu.memory_space<semaphore_mem>>) src(%dma_wait3A_57 : memref<120x64xf32, #tpu.memory_space<vmem>>) dst(%dma_wait3A_54 : memref<120x64xf32, #tpu.memory_space<vmem_shared>>)
      tpu.yield
    }) : () -> ()
    %mul3A_19 = arith.constant 80 : i32
    %mul3A_20 = arith.muli %add3A, %mul3A_19 : i32
    %mul3A_21 = arith.constant 128 : i32
    %mul3A_22 = arith.muli %mul3A_20, %mul3A_21 : i32
    "tpu.region"() ({
      %run_scoped3A = tpu.sem_alloc : memref<!tpu.dma_semaphore, #tpu.memory_space<semaphore_mem>>
      %dma_start3A_38 = tpu.memref_slice %arg3[%mul3A_22] : memref<327680xi32, #tpu.memory_space<hbm>> -> memref<10240xi32, #tpu.memory_space<hbm>>
      %dma_start3A_39 = tpu.memref_slice %arg3[%mul3A_22] : memref<327680xi32, #tpu.memory_space<hbm>> -> memref<10240xi32, #tpu.memory_space<hbm>>
      tpu.enqueue_dma source(%dma_start3A_39 : memref<10240xi32, #tpu.memory_space<hbm>>) target(%arg6 : memref<10240xi32, #tpu.memory_space<vmem>>) target_semaphore(%run_scoped3A : memref<!tpu.dma_semaphore, #tpu.memory_space<semaphore_mem>>)
      %dma_wait3A_40 = tpu.memref_slice %arg3[%mul3A_22] : memref<327680xi32, #tpu.memory_space<hbm>> -> memref<10240xi32, #tpu.memory_space<hbm>>
      %dma_wait3A_41 = tpu.memref_slice %arg3[%mul3A_22] : memref<327680xi32, #tpu.memory_space<hbm>> -> memref<10240xi32, #tpu.memory_space<hbm>>
      tpu.wait_dma2 semaphore(%run_scoped3A : memref<!tpu.dma_semaphore, #tpu.memory_space<semaphore_mem>>) src(%dma_wait3A_41 : memref<10240xi32, #tpu.memory_space<hbm>>) dst(%arg6 : memref<10240xi32, #tpu.memory_space<vmem>>)
      tpu.yield
    }) : () -> ()
    "tpu.region"() ({
      %run_scoped3A = tpu.sem_alloc : memref<!tpu.dma_semaphore, #tpu.memory_space<semaphore_mem>>
      %dma_start3A_38 = arith.constant 0 : i32
      %dma_start3A_39 = tpu.memref_slice %arg4[%mul3A_20, %dma_start3A_38] : memref<2560x128xi32, #tpu.memory_space<hbm>> -> memref<80x128xi32, #tpu.memory_space<hbm>>
      %dma_start3A_40 = arith.constant 0 : i32
      %dma_start3A_41 = tpu.memref_slice %arg4[%mul3A_20, %dma_start3A_40] : memref<2560x128xi32, #tpu.memory_space<hbm>> -> memref<80x128xi32, #tpu.memory_space<hbm>>
      tpu.enqueue_dma source(%dma_start3A_41 : memref<80x128xi32, #tpu.memory_space<hbm>>) target(%arg7 : memref<80x128xi32, #tpu.memory_space<vmem>>) target_semaphore(%run_scoped3A : memref<!tpu.dma_semaphore, #tpu.memory_space<semaphore_mem>>)
      %dma_wait3A_42 = arith.constant 0 : i32
      %dma_wait3A_43 = tpu.memref_slice %arg4[%mul3A_20, %dma_wait3A_42] : memref<2560x128xi32, #tpu.memory_space<hbm>> -> memref<80x128xi32, #tpu.memory_space<hbm>>
      %dma_wait3A_44 = arith.constant 0 : i32
      %dma_wait3A_45 = tpu.memref_slice %arg4[%mul3A_20, %dma_wait3A_44] : memref<2560x128xi32, #tpu.memory_space<hbm>> -> memref<80x128xi32, #tpu.memory_space<hbm>>
      tpu.wait_dma2 semaphore(%run_scoped3A : memref<!tpu.dma_semaphore, #tpu.memory_space<semaphore_mem>>) src(%dma_wait3A_45 : memref<80x128xi32, #tpu.memory_space<hbm>>) dst(%arg7 : memref<80x128xi32, #tpu.memory_space<vmem>>)
      tpu.yield
    }) : () -> ()
    %barrier3A = arith.constant 0 : index
    tpu.barrier barrier_id(%barrier3A)
    %dma_start3A = arith.constant 0 : i32
    %dma_start3A_23 = tpu.memref_slice %arg6[%dma_start3A] : memref<10240xi32, #tpu.memory_space<vmem>> -> memref<128xi32, #tpu.memory_space<vmem>>
    %dma_start3A_24 = arith.constant 0 : i32
    %dma_start3A_25 = arith.constant 0 : i32
    %dma_start3A_26 = tpu.memref_slice %arg13[%dma_start3A_24, %dma_start3A_25] : memref<10112x64xf32, #tpu.memory_space<vmem_shared>> -> memref<10112x64xf32, #tpu.memory_space<vmem_shared>>
    tpu.enqueue_indirect_dma source(%dma_start3A_26 : memref<10112x64xf32, #tpu.memory_space<vmem_shared>>) target(%arg8 : memref<128x64xf32, #tpu.memory_space<vmem>>) offsets(%dma_start3A_23 : memref<128xi32, #tpu.memory_space<vmem>>) semaphore(%arg11 : memref<!tpu.dma_semaphore, #tpu.memory_space<semaphore_mem>>)
    %scan3A_27 = arith.constant 0 : i32
    %scan3A_28 = arith.constant 0 : i32
    %scan3A_29 = arith.constant 10 : i32
    %scan3A_30 = arith.addi %scan3A_28, %scan3A_29 : i32
    %scan3A_31 = arith.constant 1 : i32
    scf.for %scan3A_38 = %scan3A_28 to %scan3A_30 step %scan3A_31  : i32 {
      %mul3A_39 = arith.constant 8 : i32
      %mul3A_40 = arith.muli %mul3A_39, %scan3A_38 : i32
      %add3A_41 = arith.constant 0 : i32
      %add3A_42 = arith.addi %mul3A_40, %add3A_41 : i32
      %add3A_43 = arith.constant 1 : i32
      %add3A_44 = arith.addi %add3A_42, %add3A_43 : i32
      %min3A = arith.constant 79 : i32
      %min3A_45 = arith.minsi %add3A_44, %min3A : i32
      %mul3A_46 = arith.constant 128 : i32
      %mul3A_47 = arith.muli %min3A_45, %mul3A_46 : i32
      %dma_start3A_48 = tpu.memref_slice %arg6[%mul3A_47] : memref<10240xi32, #tpu.memory_space<vmem>> -> memref<128xi32, #tpu.memory_space<vmem>>
      %dma_start3A_49 = arith.constant 0 : i32
      %dma_start3A_50 = arith.constant 0 : i32
      %dma_start3A_51 = tpu.memref_slice %arg13[%dma_start3A_49, %dma_start3A_50] : memref<10112x64xf32, #tpu.memory_space<vmem_shared>> -> memref<10112x64xf32, #tpu.memory_space<vmem_shared>>
      tpu.enqueue_indirect_dma source(%dma_start3A_51 : memref<10112x64xf32, #tpu.memory_space<vmem_shared>>) target(%arg9 : memref<128x64xf32, #tpu.memory_space<vmem>>) offsets(%dma_start3A_48 : memref<128xi32, #tpu.memory_space<vmem>>) semaphore(%arg12 : memref<!tpu.dma_semaphore, #tpu.memory_space<semaphore_mem>>)
      %add3A_52 = arith.constant 0 : i32
      %add3A_53 = arith.addi %mul3A_40, %add3A_52 : i32
      %mul3A_54 = arith.constant 128 : i32
      %mul3A_55 = arith.muli %add3A_53, %mul3A_54 : i32
      %dma_wait3A_56 = tpu.memref_slice %arg6[%mul3A_55] : memref<10240xi32, #tpu.memory_space<vmem>> -> memref<128xi32, #tpu.memory_space<vmem>>
      %dma_wait3A_57 = arith.constant 0 : i32
      %dma_wait3A_58 = arith.constant 0 : i32
      %dma_wait3A_59 = tpu.memref_slice %arg13[%dma_wait3A_57, %dma_wait3A_58] : memref<10112x64xf32, #tpu.memory_space<vmem_shared>> -> memref<10112x64xf32, #tpu.memory_space<vmem_shared>>
      tpu.wait_indirect_dma semaphore(%arg11 : memref<!tpu.dma_semaphore, #tpu.memory_space<semaphore_mem>>) src(%dma_wait3A_59 : memref<10112x64xf32, #tpu.memory_space<vmem_shared>>) dst(%arg8 : memref<128x64xf32, #tpu.memory_space<vmem>>)
      %add3A_60 = arith.constant 0 : i32
      %add3A_61 = arith.addi %mul3A_40, %add3A_60 : i32
      "tpu.region"() ({
        %run_scoped3A = tpu.sem_alloc : memref<!tpu.dma_semaphore, #tpu.memory_space<semaphore_mem>>
        %dma_start3A_216 = arith.constant 0 : i32
        %dma_start3A_217 = tpu.memref_slice %arg7[%add3A_61, %dma_start3A_216] : memref<80x128xi32, #tpu.memory_space<vmem>> -> memref<1x128xi32, #tpu.memory_space<vmem>>
        %dma_start3A_218 = tpu.memref_squeeze %dma_start3A_217 : memref<1x128xi32, #tpu.memory_space<vmem>> -> memref<128xi32, #tpu.memory_space<vmem>>
        %dma_start3A_219 = arith.constant 0 : i32
        %dma_start3A_220 = arith.constant 0 : i32
        %dma_start3A_221 = tpu.memref_slice %arg14[%dma_start3A_219, %dma_start3A_220] : memref<10112x64xf32, #tpu.memory_space<vmem_shared>> -> memref<10112x64xf32, #tpu.memory_space<vmem_shared>>
        tpu.enqueue_indirect_dma source(%arg8 : memref<128x64xf32, #tpu.memory_space<vmem>>) target(%dma_start3A_221 : memref<10112x64xf32, #tpu.memory_space<vmem_shared>>) offsets(%dma_start3A_218 : memref<128xi32, #tpu.memory_space<vmem>>) semaphore(%run_scoped3A : memref<!tpu.dma_semaphore, #tpu.memory_space<semaphore_mem>>) {add = true}
        %dma_wait3A_222 = arith.constant 0 : i32
        %dma_wait3A_223 = tpu.memref_slice %arg7[%add3A_61, %dma_wait3A_222] : memref<80x128xi32, #tpu.memory_space<vmem>> -> memref<1x128xi32, #tpu.memory_space<vmem>>
        %dma_wait3A_224 = tpu.memref_squeeze %dma_wait3A_223 : memref<1x128xi32, #tpu.memory_space<vmem>> -> memref<128xi32, #tpu.memory_space<vmem>>
        %dma_wait3A_225 = arith.constant 0 : i32
        %dma_wait3A_226 = arith.constant 0 : i32
        %dma_wait3A_227 = tpu.memref_slice %arg14[%dma_wait3A_225, %dma_wait3A_226] : memref<10112x64xf32, #tpu.memory_space<vmem_shared>> -> memref<10112x64xf32, #tpu.memory_space<vmem_shared>>
        tpu.wait_indirect_dma semaphore(%run_scoped3A : memref<!tpu.dma_semaphore, #tpu.memory_space<semaphore_mem>>) src(%arg8 : memref<128x64xf32, #tpu.memory_space<vmem>>) dst(%dma_wait3A_227 : memref<10112x64xf32, #tpu.memory_space<vmem_shared>>)
        tpu.yield
      }) : () -> ()
      %add3A_62 = arith.constant 1 : i32
      %add3A_63 = arith.addi %mul3A_40, %add3A_62 : i32
      %add3A_64 = arith.constant 1 : i32
      %add3A_65 = arith.addi %add3A_63, %add3A_64 : i32
      %min3A_66 = arith.constant 79 : i32
      %min3A_67 = arith.minsi %add3A_65, %min3A_66 : i32
      %mul3A_68 = arith.constant 128 : i32
      %mul3A_69 = arith.muli %min3A_67, %mul3A_68 : i32
      %dma_start3A_70 = tpu.memref_slice %arg6[%mul3A_69] : memref<10240xi32, #tpu.memory_space<vmem>> -> memref<128xi32, #tpu.memory_space<vmem>>
      %dma_start3A_71 = arith.constant 0 : i32
      %dma_start3A_72 = arith.constant 0 : i32
      %dma_start3A_73 = tpu.memref_slice %arg13[%dma_start3A_71, %dma_start3A_72] : memref<10112x64xf32, #tpu.memory_space<vmem_shared>> -> memref<10112x64xf32, #tpu.memory_space<vmem_shared>>
      tpu.enqueue_indirect_dma source(%dma_start3A_73 : memref<10112x64xf32, #tpu.memory_space<vmem_shared>>) target(%arg8 : memref<128x64xf32, #tpu.memory_space<vmem>>) offsets(%dma_start3A_70 : memref<128xi32, #tpu.memory_space<vmem>>) semaphore(%arg11 : memref<!tpu.dma_semaphore, #tpu.memory_space<semaphore_mem>>)
      %add3A_74 = arith.constant 1 : i32
      %add3A_75 = arith.addi %mul3A_40, %add3A_74 : i32
      %mul3A_76 = arith.constant 128 : i32
      %mul3A_77 = arith.muli %add3A_75, %mul3A_76 : i32
      %dma_wait3A_78 = tpu.memref_slice %arg6[%mul3A_77] : memref<10240xi32, #tpu.memory_space<vmem>> -> memref<128xi32, #tpu.memory_space<vmem>>
      %dma_wait3A_79 = arith.constant 0 : i32
      %dma_wait3A_80 = arith.constant 0 : i32
      %dma_wait3A_81 = tpu.memref_slice %arg13[%dma_wait3A_79, %dma_wait3A_80] : memref<10112x64xf32, #tpu.memory_space<vmem_shared>> -> memref<10112x64xf32, #tpu.memory_space<vmem_shared>>
      tpu.wait_indirect_dma semaphore(%arg12 : memref<!tpu.dma_semaphore, #tpu.memory_space<semaphore_mem>>) src(%dma_wait3A_81 : memref<10112x64xf32, #tpu.memory_space<vmem_shared>>) dst(%arg9 : memref<128x64xf32, #tpu.memory_space<vmem>>)
      %add3A_82 = arith.constant 1 : i32
      %add3A_83 = arith.addi %mul3A_40, %add3A_82 : i32
      "tpu.region"() ({
        %run_scoped3A = tpu.sem_alloc : memref<!tpu.dma_semaphore, #tpu.memory_space<semaphore_mem>>
        %dma_start3A_216 = arith.constant 0 : i32
        %dma_start3A_217 = tpu.memref_slice %arg7[%add3A_83, %dma_start3A_216] : memref<80x128xi32, #tpu.memory_space<vmem>> -> memref<1x128xi32, #tpu.memory_space<vmem>>
        %dma_start3A_218 = tpu.memref_squeeze %dma_start3A_217 : memref<1x128xi32, #tpu.memory_space<vmem>> -> memref<128xi32, #tpu.memory_space<vmem>>
        %dma_start3A_219 = arith.constant 0 : i32
        %dma_start3A_220 = arith.constant 0 : i32
        %dma_start3A_221 = tpu.memref_slice %arg14[%dma_start3A_219, %dma_start3A_220] : memref<10112x64xf32, #tpu.memory_space<vmem_shared>> -> memref<10112x64xf32, #tpu.memory_space<vmem_shared>>
        tpu.enqueue_indirect_dma source(%arg9 : memref<128x64xf32, #tpu.memory_space<vmem>>) target(%dma_start3A_221 : memref<10112x64xf32, #tpu.memory_space<vmem_shared>>) offsets(%dma_start3A_218 : memref<128xi32, #tpu.memory_space<vmem>>) semaphore(%run_scoped3A : memref<!tpu.dma_semaphore, #tpu.memory_space<semaphore_mem>>) {add = true}
        %dma_wait3A_222 = arith.constant 0 : i32
        %dma_wait3A_223 = tpu.memref_slice %arg7[%add3A_83, %dma_wait3A_222] : memref<80x128xi32, #tpu.memory_space<vmem>> -> memref<1x128xi32, #tpu.memory_space<vmem>>
        %dma_wait3A_224 = tpu.memref_squeeze %dma_wait3A_223 : memref<1x128xi32, #tpu.memory_space<vmem>> -> memref<128xi32, #tpu.memory_space<vmem>>
        %dma_wait3A_225 = arith.constant 0 : i32
        %dma_wait3A_226 = arith.constant 0 : i32
        %dma_wait3A_227 = tpu.memref_slice %arg14[%dma_wait3A_225, %dma_wait3A_226] : memref<10112x64xf32, #tpu.memory_space<vmem_shared>> -> memref<10112x64xf32, #tpu.memory_space<vmem_shared>>
        tpu.wait_indirect_dma semaphore(%run_scoped3A : memref<!tpu.dma_semaphore, #tpu.memory_space<semaphore_mem>>) src(%arg9 : memref<128x64xf32, #tpu.memory_space<vmem>>) dst(%dma_wait3A_227 : memref<10112x64xf32, #tpu.memory_space<vmem_shared>>)
        tpu.yield
      }) : () -> ()
      %add3A_84 = arith.constant 2 : i32
      %add3A_85 = arith.addi %mul3A_40, %add3A_84 : i32
      %add3A_86 = arith.constant 1 : i32
      %add3A_87 = arith.addi %add3A_85, %add3A_86 : i32
      %min3A_88 = arith.constant 79 : i32
      %min3A_89 = arith.minsi %add3A_87, %min3A_88 : i32
      %mul3A_90 = arith.constant 128 : i32
      %mul3A_91 = arith.muli %min3A_89, %mul3A_90 : i32
      %dma_start3A_92 = tpu.memref_slice %arg6[%mul3A_91] : memref<10240xi32, #tpu.memory_space<vmem>> -> memref<128xi32, #tpu.memory_space<vmem>>
      %dma_start3A_93 = arith.constant 0 : i32
      %dma_start3A_94 = arith.constant 0 : i32
      %dma_start3A_95 = tpu.memref_slice %arg13[%dma_start3A_93, %dma_start3A_94] : memref<10112x64xf32, #tpu.memory_space<vmem_shared>> -> memref<10112x64xf32, #tpu.memory_space<vmem_shared>>
      tpu.enqueue_indirect_dma source(%dma_start3A_95 : memref<10112x64xf32, #tpu.memory_space<vmem_shared>>) target(%arg9 : memref<128x64xf32, #tpu.memory_space<vmem>>) offsets(%dma_start3A_92 : memref<128xi32, #tpu.memory_space<vmem>>) semaphore(%arg12 : memref<!tpu.dma_semaphore, #tpu.memory_space<semaphore_mem>>)
      %add3A_96 = arith.constant 2 : i32
      %add3A_97 = arith.addi %mul3A_40, %add3A_96 : i32
      %mul3A_98 = arith.constant 128 : i32
      %mul3A_99 = arith.muli %add3A_97, %mul3A_98 : i32
      %dma_wait3A_100 = tpu.memref_slice %arg6[%mul3A_99] : memref<10240xi32, #tpu.memory_space<vmem>> -> memref<128xi32, #tpu.memory_space<vmem>>
      %dma_wait3A_101 = arith.constant 0 : i32
      %dma_wait3A_102 = arith.constant 0 : i32
      %dma_wait3A_103 = tpu.memref_slice %arg13[%dma_wait3A_101, %dma_wait3A_102] : memref<10112x64xf32, #tpu.memory_space<vmem_shared>> -> memref<10112x64xf32, #tpu.memory_space<vmem_shared>>
      tpu.wait_indirect_dma semaphore(%arg11 : memref<!tpu.dma_semaphore, #tpu.memory_space<semaphore_mem>>) src(%dma_wait3A_103 : memref<10112x64xf32, #tpu.memory_space<vmem_shared>>) dst(%arg8 : memref<128x64xf32, #tpu.memory_space<vmem>>)
      %add3A_104 = arith.constant 2 : i32
      %add3A_105 = arith.addi %mul3A_40, %add3A_104 : i32
      "tpu.region"() ({
        %run_scoped3A = tpu.sem_alloc : memref<!tpu.dma_semaphore, #tpu.memory_space<semaphore_mem>>
        %dma_start3A_216 = arith.constant 0 : i32
        %dma_start3A_217 = tpu.memref_slice %arg7[%add3A_105, %dma_start3A_216] : memref<80x128xi32, #tpu.memory_space<vmem>> -> memref<1x128xi32, #tpu.memory_space<vmem>>
        %dma_start3A_218 = tpu.memref_squeeze %dma_start3A_217 : memref<1x128xi32, #tpu.memory_space<vmem>> -> memref<128xi32, #tpu.memory_space<vmem>>
        %dma_start3A_219 = arith.constant 0 : i32
        %dma_start3A_220 = arith.constant 0 : i32
        %dma_start3A_221 = tpu.memref_slice %arg14[%dma_start3A_219, %dma_start3A_220] : memref<10112x64xf32, #tpu.memory_space<vmem_shared>> -> memref<10112x64xf32, #tpu.memory_space<vmem_shared>>
        tpu.enqueue_indirect_dma source(%arg8 : memref<128x64xf32, #tpu.memory_space<vmem>>) target(%dma_start3A_221 : memref<10112x64xf32, #tpu.memory_space<vmem_shared>>) offsets(%dma_start3A_218 : memref<128xi32, #tpu.memory_space<vmem>>) semaphore(%run_scoped3A : memref<!tpu.dma_semaphore, #tpu.memory_space<semaphore_mem>>) {add = true}
        %dma_wait3A_222 = arith.constant 0 : i32
        %dma_wait3A_223 = tpu.memref_slice %arg7[%add3A_105, %dma_wait3A_222] : memref<80x128xi32, #tpu.memory_space<vmem>> -> memref<1x128xi32, #tpu.memory_space<vmem>>
        %dma_wait3A_224 = tpu.memref_squeeze %dma_wait3A_223 : memref<1x128xi32, #tpu.memory_space<vmem>> -> memref<128xi32, #tpu.memory_space<vmem>>
        %dma_wait3A_225 = arith.constant 0 : i32
        %dma_wait3A_226 = arith.constant 0 : i32
        %dma_wait3A_227 = tpu.memref_slice %arg14[%dma_wait3A_225, %dma_wait3A_226] : memref<10112x64xf32, #tpu.memory_space<vmem_shared>> -> memref<10112x64xf32, #tpu.memory_space<vmem_shared>>
        tpu.wait_indirect_dma semaphore(%run_scoped3A : memref<!tpu.dma_semaphore, #tpu.memory_space<semaphore_mem>>) src(%arg8 : memref<128x64xf32, #tpu.memory_space<vmem>>) dst(%dma_wait3A_227 : memref<10112x64xf32, #tpu.memory_space<vmem_shared>>)
        tpu.yield
      }) : () -> ()
      %add3A_106 = arith.constant 3 : i32
      %add3A_107 = arith.addi %mul3A_40, %add3A_106 : i32
      %add3A_108 = arith.constant 1 : i32
      %add3A_109 = arith.addi %add3A_107, %add3A_108 : i32
      %min3A_110 = arith.constant 79 : i32
      %min3A_111 = arith.minsi %add3A_109, %min3A_110 : i32
      %mul3A_112 = arith.constant 128 : i32
      %mul3A_113 = arith.muli %min3A_111, %mul3A_112 : i32
      %dma_start3A_114 = tpu.memref_slice %arg6[%mul3A_113] : memref<10240xi32, #tpu.memory_space<vmem>> -> memref<128xi32, #tpu.memory_space<vmem>>
      %dma_start3A_115 = arith.constant 0 : i32
      %dma_start3A_116 = arith.constant 0 : i32
      %dma_start3A_117 = tpu.memref_slice %arg13[%dma_start3A_115, %dma_start3A_116] : memref<10112x64xf32, #tpu.memory_space<vmem_shared>> -> memref<10112x64xf32, #tpu.memory_space<vmem_shared>>
      tpu.enqueue_indirect_dma source(%dma_start3A_117 : memref<10112x64xf32, #tpu.memory_space<vmem_shared>>) target(%arg8 : memref<128x64xf32, #tpu.memory_space<vmem>>) offsets(%dma_start3A_114 : memref<128xi32, #tpu.memory_space<vmem>>) semaphore(%arg11 : memref<!tpu.dma_semaphore, #tpu.memory_space<semaphore_mem>>)
      %add3A_118 = arith.constant 3 : i32
      %add3A_119 = arith.addi %mul3A_40, %add3A_118 : i32
      %mul3A_120 = arith.constant 128 : i32
      %mul3A_121 = arith.muli %add3A_119, %mul3A_120 : i32
      %dma_wait3A_122 = tpu.memref_slice %arg6[%mul3A_121] : memref<10240xi32, #tpu.memory_space<vmem>> -> memref<128xi32, #tpu.memory_space<vmem>>
      %dma_wait3A_123 = arith.constant 0 : i32
      %dma_wait3A_124 = arith.constant 0 : i32
      %dma_wait3A_125 = tpu.memref_slice %arg13[%dma_wait3A_123, %dma_wait3A_124] : memref<10112x64xf32, #tpu.memory_space<vmem_shared>> -> memref<10112x64xf32, #tpu.memory_space<vmem_shared>>
      tpu.wait_indirect_dma semaphore(%arg12 : memref<!tpu.dma_semaphore, #tpu.memory_space<semaphore_mem>>) src(%dma_wait3A_125 : memref<10112x64xf32, #tpu.memory_space<vmem_shared>>) dst(%arg9 : memref<128x64xf32, #tpu.memory_space<vmem>>)
      %add3A_126 = arith.constant 3 : i32
      %add3A_127 = arith.addi %mul3A_40, %add3A_126 : i32
      "tpu.region"() ({
        %run_scoped3A = tpu.sem_alloc : memref<!tpu.dma_semaphore, #tpu.memory_space<semaphore_mem>>
        %dma_start3A_216 = arith.constant 0 : i32
        %dma_start3A_217 = tpu.memref_slice %arg7[%add3A_127, %dma_start3A_216] : memref<80x128xi32, #tpu.memory_space<vmem>> -> memref<1x128xi32, #tpu.memory_space<vmem>>
        %dma_start3A_218 = tpu.memref_squeeze %dma_start3A_217 : memref<1x128xi32, #tpu.memory_space<vmem>> -> memref<128xi32, #tpu.memory_space<vmem>>
        %dma_start3A_219 = arith.constant 0 : i32
        %dma_start3A_220 = arith.constant 0 : i32
        %dma_start3A_221 = tpu.memref_slice %arg14[%dma_start3A_219, %dma_start3A_220] : memref<10112x64xf32, #tpu.memory_space<vmem_shared>> -> memref<10112x64xf32, #tpu.memory_space<vmem_shared>>
        tpu.enqueue_indirect_dma source(%arg9 : memref<128x64xf32, #tpu.memory_space<vmem>>) target(%dma_start3A_221 : memref<10112x64xf32, #tpu.memory_space<vmem_shared>>) offsets(%dma_start3A_218 : memref<128xi32, #tpu.memory_space<vmem>>) semaphore(%run_scoped3A : memref<!tpu.dma_semaphore, #tpu.memory_space<semaphore_mem>>) {add = true}
        %dma_wait3A_222 = arith.constant 0 : i32
        %dma_wait3A_223 = tpu.memref_slice %arg7[%add3A_127, %dma_wait3A_222] : memref<80x128xi32, #tpu.memory_space<vmem>> -> memref<1x128xi32, #tpu.memory_space<vmem>>
        %dma_wait3A_224 = tpu.memref_squeeze %dma_wait3A_223 : memref<1x128xi32, #tpu.memory_space<vmem>> -> memref<128xi32, #tpu.memory_space<vmem>>
        %dma_wait3A_225 = arith.constant 0 : i32
        %dma_wait3A_226 = arith.constant 0 : i32
        %dma_wait3A_227 = tpu.memref_slice %arg14[%dma_wait3A_225, %dma_wait3A_226] : memref<10112x64xf32, #tpu.memory_space<vmem_shared>> -> memref<10112x64xf32, #tpu.memory_space<vmem_shared>>
        tpu.wait_indirect_dma semaphore(%run_scoped3A : memref<!tpu.dma_semaphore, #tpu.memory_space<semaphore_mem>>) src(%arg9 : memref<128x64xf32, #tpu.memory_space<vmem>>) dst(%dma_wait3A_227 : memref<10112x64xf32, #tpu.memory_space<vmem_shared>>)
        tpu.yield
      }) : () -> ()
      %add3A_128 = arith.constant 4 : i32
      %add3A_129 = arith.addi %mul3A_40, %add3A_128 : i32
      %add3A_130 = arith.constant 1 : i32
      %add3A_131 = arith.addi %add3A_129, %add3A_130 : i32
      %min3A_132 = arith.constant 79 : i32
      %min3A_133 = arith.minsi %add3A_131, %min3A_132 : i32
      %mul3A_134 = arith.constant 128 : i32
      %mul3A_135 = arith.muli %min3A_133, %mul3A_134 : i32
      %dma_start3A_136 = tpu.memref_slice %arg6[%mul3A_135] : memref<10240xi32, #tpu.memory_space<vmem>> -> memref<128xi32, #tpu.memory_space<vmem>>
      %dma_start3A_137 = arith.constant 0 : i32
      %dma_start3A_138 = arith.constant 0 : i32
      %dma_start3A_139 = tpu.memref_slice %arg13[%dma_start3A_137, %dma_start3A_138] : memref<10112x64xf32, #tpu.memory_space<vmem_shared>> -> memref<10112x64xf32, #tpu.memory_space<vmem_shared>>
      tpu.enqueue_indirect_dma source(%dma_start3A_139 : memref<10112x64xf32, #tpu.memory_space<vmem_shared>>) target(%arg9 : memref<128x64xf32, #tpu.memory_space<vmem>>) offsets(%dma_start3A_136 : memref<128xi32, #tpu.memory_space<vmem>>) semaphore(%arg12 : memref<!tpu.dma_semaphore, #tpu.memory_space<semaphore_mem>>)
      %add3A_140 = arith.constant 4 : i32
      %add3A_141 = arith.addi %mul3A_40, %add3A_140 : i32
      %mul3A_142 = arith.constant 128 : i32
      %mul3A_143 = arith.muli %add3A_141, %mul3A_142 : i32
      %dma_wait3A_144 = tpu.memref_slice %arg6[%mul3A_143] : memref<10240xi32, #tpu.memory_space<vmem>> -> memref<128xi32, #tpu.memory_space<vmem>>
      %dma_wait3A_145 = arith.constant 0 : i32
      %dma_wait3A_146 = arith.constant 0 : i32
      %dma_wait3A_147 = tpu.memref_slice %arg13[%dma_wait3A_145, %dma_wait3A_146] : memref<10112x64xf32, #tpu.memory_space<vmem_shared>> -> memref<10112x64xf32, #tpu.memory_space<vmem_shared>>
      tpu.wait_indirect_dma semaphore(%arg11 : memref<!tpu.dma_semaphore, #tpu.memory_space<semaphore_mem>>) src(%dma_wait3A_147 : memref<10112x64xf32, #tpu.memory_space<vmem_shared>>) dst(%arg8 : memref<128x64xf32, #tpu.memory_space<vmem>>)
      %add3A_148 = arith.constant 4 : i32
      %add3A_149 = arith.addi %mul3A_40, %add3A_148 : i32
      "tpu.region"() ({
        %run_scoped3A = tpu.sem_alloc : memref<!tpu.dma_semaphore, #tpu.memory_space<semaphore_mem>>
        %dma_start3A_216 = arith.constant 0 : i32
        %dma_start3A_217 = tpu.memref_slice %arg7[%add3A_149, %dma_start3A_216] : memref<80x128xi32, #tpu.memory_space<vmem>> -> memref<1x128xi32, #tpu.memory_space<vmem>>
        %dma_start3A_218 = tpu.memref_squeeze %dma_start3A_217 : memref<1x128xi32, #tpu.memory_space<vmem>> -> memref<128xi32, #tpu.memory_space<vmem>>
        %dma_start3A_219 = arith.constant 0 : i32
        %dma_start3A_220 = arith.constant 0 : i32
        %dma_start3A_221 = tpu.memref_slice %arg14[%dma_start3A_219, %dma_start3A_220] : memref<10112x64xf32, #tpu.memory_space<vmem_shared>> -> memref<10112x64xf32, #tpu.memory_space<vmem_shared>>
        tpu.enqueue_indirect_dma source(%arg8 : memref<128x64xf32, #tpu.memory_space<vmem>>) target(%dma_start3A_221 : memref<10112x64xf32, #tpu.memory_space<vmem_shared>>) offsets(%dma_start3A_218 : memref<128xi32, #tpu.memory_space<vmem>>) semaphore(%run_scoped3A : memref<!tpu.dma_semaphore, #tpu.memory_space<semaphore_mem>>) {add = true}
        %dma_wait3A_222 = arith.constant 0 : i32
        %dma_wait3A_223 = tpu.memref_slice %arg7[%add3A_149, %dma_wait3A_222] : memref<80x128xi32, #tpu.memory_space<vmem>> -> memref<1x128xi32, #tpu.memory_space<vmem>>
        %dma_wait3A_224 = tpu.memref_squeeze %dma_wait3A_223 : memref<1x128xi32, #tpu.memory_space<vmem>> -> memref<128xi32, #tpu.memory_space<vmem>>
        %dma_wait3A_225 = arith.constant 0 : i32
        %dma_wait3A_226 = arith.constant 0 : i32
        %dma_wait3A_227 = tpu.memref_slice %arg14[%dma_wait3A_225, %dma_wait3A_226] : memref<10112x64xf32, #tpu.memory_space<vmem_shared>> -> memref<10112x64xf32, #tpu.memory_space<vmem_shared>>
        tpu.wait_indirect_dma semaphore(%run_scoped3A : memref<!tpu.dma_semaphore, #tpu.memory_space<semaphore_mem>>) src(%arg8 : memref<128x64xf32, #tpu.memory_space<vmem>>) dst(%dma_wait3A_227 : memref<10112x64xf32, #tpu.memory_space<vmem_shared>>)
        tpu.yield
      }) : () -> ()
      %add3A_150 = arith.constant 5 : i32
      %add3A_151 = arith.addi %mul3A_40, %add3A_150 : i32
      %add3A_152 = arith.constant 1 : i32
      %add3A_153 = arith.addi %add3A_151, %add3A_152 : i32
      %min3A_154 = arith.constant 79 : i32
      %min3A_155 = arith.minsi %add3A_153, %min3A_154 : i32
      %mul3A_156 = arith.constant 128 : i32
      %mul3A_157 = arith.muli %min3A_155, %mul3A_156 : i32
      %dma_start3A_158 = tpu.memref_slice %arg6[%mul3A_157] : memref<10240xi32, #tpu.memory_space<vmem>> -> memref<128xi32, #tpu.memory_space<vmem>>
      %dma_start3A_159 = arith.constant 0 : i32
      %dma_start3A_160 = arith.constant 0 : i32
      %dma_start3A_161 = tpu.memref_slice %arg13[%dma_start3A_159, %dma_start3A_160] : memref<10112x64xf32, #tpu.memory_space<vmem_shared>> -> memref<10112x64xf32, #tpu.memory_space<vmem_shared>>
      tpu.enqueue_indirect_dma source(%dma_start3A_161 : memref<10112x64xf32, #tpu.memory_space<vmem_shared>>) target(%arg8 : memref<128x64xf32, #tpu.memory_space<vmem>>) offsets(%dma_start3A_158 : memref<128xi32, #tpu.memory_space<vmem>>) semaphore(%arg11 : memref<!tpu.dma_semaphore, #tpu.memory_space<semaphore_mem>>)
      %add3A_162 = arith.constant 5 : i32
      %add3A_163 = arith.addi %mul3A_40, %add3A_162 : i32
      %mul3A_164 = arith.constant 128 : i32
      %mul3A_165 = arith.muli %add3A_163, %mul3A_164 : i32
      %dma_wait3A_166 = tpu.memref_slice %arg6[%mul3A_165] : memref<10240xi32, #tpu.memory_space<vmem>> -> memref<128xi32, #tpu.memory_space<vmem>>
      %dma_wait3A_167 = arith.constant 0 : i32
      %dma_wait3A_168 = arith.constant 0 : i32
      %dma_wait3A_169 = tpu.memref_slice %arg13[%dma_wait3A_167, %dma_wait3A_168] : memref<10112x64xf32, #tpu.memory_space<vmem_shared>> -> memref<10112x64xf32, #tpu.memory_space<vmem_shared>>
      tpu.wait_indirect_dma semaphore(%arg12 : memref<!tpu.dma_semaphore, #tpu.memory_space<semaphore_mem>>) src(%dma_wait3A_169 : memref<10112x64xf32, #tpu.memory_space<vmem_shared>>) dst(%arg9 : memref<128x64xf32, #tpu.memory_space<vmem>>)
      %add3A_170 = arith.constant 5 : i32
      %add3A_171 = arith.addi %mul3A_40, %add3A_170 : i32
      "tpu.region"() ({
        %run_scoped3A = tpu.sem_alloc : memref<!tpu.dma_semaphore, #tpu.memory_space<semaphore_mem>>
        %dma_start3A_216 = arith.constant 0 : i32
        %dma_start3A_217 = tpu.memref_slice %arg7[%add3A_171, %dma_start3A_216] : memref<80x128xi32, #tpu.memory_space<vmem>> -> memref<1x128xi32, #tpu.memory_space<vmem>>
        %dma_start3A_218 = tpu.memref_squeeze %dma_start3A_217 : memref<1x128xi32, #tpu.memory_space<vmem>> -> memref<128xi32, #tpu.memory_space<vmem>>
        %dma_start3A_219 = arith.constant 0 : i32
        %dma_start3A_220 = arith.constant 0 : i32
        %dma_start3A_221 = tpu.memref_slice %arg14[%dma_start3A_219, %dma_start3A_220] : memref<10112x64xf32, #tpu.memory_space<vmem_shared>> -> memref<10112x64xf32, #tpu.memory_space<vmem_shared>>
        tpu.enqueue_indirect_dma source(%arg9 : memref<128x64xf32, #tpu.memory_space<vmem>>) target(%dma_start3A_221 : memref<10112x64xf32, #tpu.memory_space<vmem_shared>>) offsets(%dma_start3A_218 : memref<128xi32, #tpu.memory_space<vmem>>) semaphore(%run_scoped3A : memref<!tpu.dma_semaphore, #tpu.memory_space<semaphore_mem>>) {add = true}
        %dma_wait3A_222 = arith.constant 0 : i32
        %dma_wait3A_223 = tpu.memref_slice %arg7[%add3A_171, %dma_wait3A_222] : memref<80x128xi32, #tpu.memory_space<vmem>> -> memref<1x128xi32, #tpu.memory_space<vmem>>
        %dma_wait3A_224 = tpu.memref_squeeze %dma_wait3A_223 : memref<1x128xi32, #tpu.memory_space<vmem>> -> memref<128xi32, #tpu.memory_space<vmem>>
        %dma_wait3A_225 = arith.constant 0 : i32
        %dma_wait3A_226 = arith.constant 0 : i32
        %dma_wait3A_227 = tpu.memref_slice %arg14[%dma_wait3A_225, %dma_wait3A_226] : memref<10112x64xf32, #tpu.memory_space<vmem_shared>> -> memref<10112x64xf32, #tpu.memory_space<vmem_shared>>
        tpu.wait_indirect_dma semaphore(%run_scoped3A : memref<!tpu.dma_semaphore, #tpu.memory_space<semaphore_mem>>) src(%arg9 : memref<128x64xf32, #tpu.memory_space<vmem>>) dst(%dma_wait3A_227 : memref<10112x64xf32, #tpu.memory_space<vmem_shared>>)
        tpu.yield
      }) : () -> ()
      %add3A_172 = arith.constant 6 : i32
      %add3A_173 = arith.addi %mul3A_40, %add3A_172 : i32
      %add3A_174 = arith.constant 1 : i32
      %add3A_175 = arith.addi %add3A_173, %add3A_174 : i32
      %min3A_176 = arith.constant 79 : i32
      %min3A_177 = arith.minsi %add3A_175, %min3A_176 : i32
      %mul3A_178 = arith.constant 128 : i32
      %mul3A_179 = arith.muli %min3A_177, %mul3A_178 : i32
      %dma_start3A_180 = tpu.memref_slice %arg6[%mul3A_179] : memref<10240xi32, #tpu.memory_space<vmem>> -> memref<128xi32, #tpu.memory_space<vmem>>
      %dma_start3A_181 = arith.constant 0 : i32
      %dma_start3A_182 = arith.constant 0 : i32
      %dma_start3A_183 = tpu.memref_slice %arg13[%dma_start3A_181, %dma_start3A_182] : memref<10112x64xf32, #tpu.memory_space<vmem_shared>> -> memref<10112x64xf32, #tpu.memory_space<vmem_shared>>
      tpu.enqueue_indirect_dma source(%dma_start3A_183 : memref<10112x64xf32, #tpu.memory_space<vmem_shared>>) target(%arg9 : memref<128x64xf32, #tpu.memory_space<vmem>>) offsets(%dma_start3A_180 : memref<128xi32, #tpu.memory_space<vmem>>) semaphore(%arg12 : memref<!tpu.dma_semaphore, #tpu.memory_space<semaphore_mem>>)
      %add3A_184 = arith.constant 6 : i32
      %add3A_185 = arith.addi %mul3A_40, %add3A_184 : i32
      %mul3A_186 = arith.constant 128 : i32
      %mul3A_187 = arith.muli %add3A_185, %mul3A_186 : i32
      %dma_wait3A_188 = tpu.memref_slice %arg6[%mul3A_187] : memref<10240xi32, #tpu.memory_space<vmem>> -> memref<128xi32, #tpu.memory_space<vmem>>
      %dma_wait3A_189 = arith.constant 0 : i32
      %dma_wait3A_190 = arith.constant 0 : i32
      %dma_wait3A_191 = tpu.memref_slice %arg13[%dma_wait3A_189, %dma_wait3A_190] : memref<10112x64xf32, #tpu.memory_space<vmem_shared>> -> memref<10112x64xf32, #tpu.memory_space<vmem_shared>>
      tpu.wait_indirect_dma semaphore(%arg11 : memref<!tpu.dma_semaphore, #tpu.memory_space<semaphore_mem>>) src(%dma_wait3A_191 : memref<10112x64xf32, #tpu.memory_space<vmem_shared>>) dst(%arg8 : memref<128x64xf32, #tpu.memory_space<vmem>>)
      %add3A_192 = arith.constant 6 : i32
      %add3A_193 = arith.addi %mul3A_40, %add3A_192 : i32
      "tpu.region"() ({
        %run_scoped3A = tpu.sem_alloc : memref<!tpu.dma_semaphore, #tpu.memory_space<semaphore_mem>>
        %dma_start3A_216 = arith.constant 0 : i32
        %dma_start3A_217 = tpu.memref_slice %arg7[%add3A_193, %dma_start3A_216] : memref<80x128xi32, #tpu.memory_space<vmem>> -> memref<1x128xi32, #tpu.memory_space<vmem>>
        %dma_start3A_218 = tpu.memref_squeeze %dma_start3A_217 : memref<1x128xi32, #tpu.memory_space<vmem>> -> memref<128xi32, #tpu.memory_space<vmem>>
        %dma_start3A_219 = arith.constant 0 : i32
        %dma_start3A_220 = arith.constant 0 : i32
        %dma_start3A_221 = tpu.memref_slice %arg14[%dma_start3A_219, %dma_start3A_220] : memref<10112x64xf32, #tpu.memory_space<vmem_shared>> -> memref<10112x64xf32, #tpu.memory_space<vmem_shared>>
        tpu.enqueue_indirect_dma source(%arg8 : memref<128x64xf32, #tpu.memory_space<vmem>>) target(%dma_start3A_221 : memref<10112x64xf32, #tpu.memory_space<vmem_shared>>) offsets(%dma_start3A_218 : memref<128xi32, #tpu.memory_space<vmem>>) semaphore(%run_scoped3A : memref<!tpu.dma_semaphore, #tpu.memory_space<semaphore_mem>>) {add = true}
        %dma_wait3A_222 = arith.constant 0 : i32
        %dma_wait3A_223 = tpu.memref_slice %arg7[%add3A_193, %dma_wait3A_222] : memref<80x128xi32, #tpu.memory_space<vmem>> -> memref<1x128xi32, #tpu.memory_space<vmem>>
        %dma_wait3A_224 = tpu.memref_squeeze %dma_wait3A_223 : memref<1x128xi32, #tpu.memory_space<vmem>> -> memref<128xi32, #tpu.memory_space<vmem>>
        %dma_wait3A_225 = arith.constant 0 : i32
        %dma_wait3A_226 = arith.constant 0 : i32
        %dma_wait3A_227 = tpu.memref_slice %arg14[%dma_wait3A_225, %dma_wait3A_226] : memref<10112x64xf32, #tpu.memory_space<vmem_shared>> -> memref<10112x64xf32, #tpu.memory_space<vmem_shared>>
        tpu.wait_indirect_dma semaphore(%run_scoped3A : memref<!tpu.dma_semaphore, #tpu.memory_space<semaphore_mem>>) src(%arg8 : memref<128x64xf32, #tpu.memory_space<vmem>>) dst(%dma_wait3A_227 : memref<10112x64xf32, #tpu.memory_space<vmem_shared>>)
        tpu.yield
      }) : () -> ()
      %add3A_194 = arith.constant 7 : i32
      %add3A_195 = arith.addi %mul3A_40, %add3A_194 : i32
      %add3A_196 = arith.constant 1 : i32
      %add3A_197 = arith.addi %add3A_195, %add3A_196 : i32
      %min3A_198 = arith.constant 79 : i32
      %min3A_199 = arith.minsi %add3A_197, %min3A_198 : i32
      %mul3A_200 = arith.constant 128 : i32
      %mul3A_201 = arith.muli %min3A_199, %mul3A_200 : i32
      %dma_start3A_202 = tpu.memref_slice %arg6[%mul3A_201] : memref<10240xi32, #tpu.memory_space<vmem>> -> memref<128xi32, #tpu.memory_space<vmem>>
      %dma_start3A_203 = arith.constant 0 : i32
      %dma_start3A_204 = arith.constant 0 : i32
      %dma_start3A_205 = tpu.memref_slice %arg13[%dma_start3A_203, %dma_start3A_204] : memref<10112x64xf32, #tpu.memory_space<vmem_shared>> -> memref<10112x64xf32, #tpu.memory_space<vmem_shared>>
      tpu.enqueue_indirect_dma source(%dma_start3A_205 : memref<10112x64xf32, #tpu.memory_space<vmem_shared>>) target(%arg8 : memref<128x64xf32, #tpu.memory_space<vmem>>) offsets(%dma_start3A_202 : memref<128xi32, #tpu.memory_space<vmem>>) semaphore(%arg11 : memref<!tpu.dma_semaphore, #tpu.memory_space<semaphore_mem>>)
      %add3A_206 = arith.constant 7 : i32
      %add3A_207 = arith.addi %mul3A_40, %add3A_206 : i32
      %mul3A_208 = arith.constant 128 : i32
      %mul3A_209 = arith.muli %add3A_207, %mul3A_208 : i32
      %dma_wait3A_210 = tpu.memref_slice %arg6[%mul3A_209] : memref<10240xi32, #tpu.memory_space<vmem>> -> memref<128xi32, #tpu.memory_space<vmem>>
      %dma_wait3A_211 = arith.constant 0 : i32
      %dma_wait3A_212 = arith.constant 0 : i32
      %dma_wait3A_213 = tpu.memref_slice %arg13[%dma_wait3A_211, %dma_wait3A_212] : memref<10112x64xf32, #tpu.memory_space<vmem_shared>> -> memref<10112x64xf32, #tpu.memory_space<vmem_shared>>
      tpu.wait_indirect_dma semaphore(%arg12 : memref<!tpu.dma_semaphore, #tpu.memory_space<semaphore_mem>>) src(%dma_wait3A_213 : memref<10112x64xf32, #tpu.memory_space<vmem_shared>>) dst(%arg9 : memref<128x64xf32, #tpu.memory_space<vmem>>)
      %add3A_214 = arith.constant 7 : i32
      %add3A_215 = arith.addi %mul3A_40, %add3A_214 : i32
      "tpu.region"() ({
        %run_scoped3A = tpu.sem_alloc : memref<!tpu.dma_semaphore, #tpu.memory_space<semaphore_mem>>
        %dma_start3A_216 = arith.constant 0 : i32
        %dma_start3A_217 = tpu.memref_slice %arg7[%add3A_215, %dma_start3A_216] : memref<80x128xi32, #tpu.memory_space<vmem>> -> memref<1x128xi32, #tpu.memory_space<vmem>>
        %dma_start3A_218 = tpu.memref_squeeze %dma_start3A_217 : memref<1x128xi32, #tpu.memory_space<vmem>> -> memref<128xi32, #tpu.memory_space<vmem>>
        %dma_start3A_219 = arith.constant 0 : i32
        %dma_start3A_220 = arith.constant 0 : i32
        %dma_start3A_221 = tpu.memref_slice %arg14[%dma_start3A_219, %dma_start3A_220] : memref<10112x64xf32, #tpu.memory_space<vmem_shared>> -> memref<10112x64xf32, #tpu.memory_space<vmem_shared>>
        tpu.enqueue_indirect_dma source(%arg9 : memref<128x64xf32, #tpu.memory_space<vmem>>) target(%dma_start3A_221 : memref<10112x64xf32, #tpu.memory_space<vmem_shared>>) offsets(%dma_start3A_218 : memref<128xi32, #tpu.memory_space<vmem>>) semaphore(%run_scoped3A : memref<!tpu.dma_semaphore, #tpu.memory_space<semaphore_mem>>) {add = true}
        %dma_wait3A_222 = arith.constant 0 : i32
        %dma_wait3A_223 = tpu.memref_slice %arg7[%add3A_215, %dma_wait3A_222] : memref<80x128xi32, #tpu.memory_space<vmem>> -> memref<1x128xi32, #tpu.memory_space<vmem>>
        %dma_wait3A_224 = tpu.memref_squeeze %dma_wait3A_223 : memref<1x128xi32, #tpu.memory_space<vmem>> -> memref<128xi32, #tpu.memory_space<vmem>>
        %dma_wait3A_225 = arith.constant 0 : i32
        %dma_wait3A_226 = arith.constant 0 : i32
        %dma_wait3A_227 = tpu.memref_slice %arg14[%dma_wait3A_225, %dma_wait3A_226] : memref<10112x64xf32, #tpu.memory_space<vmem_shared>> -> memref<10112x64xf32, #tpu.memory_space<vmem_shared>>
        tpu.wait_indirect_dma semaphore(%run_scoped3A : memref<!tpu.dma_semaphore, #tpu.memory_space<semaphore_mem>>) src(%arg9 : memref<128x64xf32, #tpu.memory_space<vmem>>) dst(%dma_wait3A_227 : memref<10112x64xf32, #tpu.memory_space<vmem_shared>>)
        tpu.yield
      }) : () -> ()
    }
    %scan3A_32 = arith.constant 10 : i32
    %dma_wait3A = arith.constant 10112 : i32
    %dma_wait3A_33 = tpu.memref_slice %arg6[%dma_wait3A] : memref<10240xi32, #tpu.memory_space<vmem>> -> memref<128xi32, #tpu.memory_space<vmem>>
    %dma_wait3A_34 = arith.constant 0 : i32
    %dma_wait3A_35 = arith.constant 0 : i32
    %dma_wait3A_36 = tpu.memref_slice %arg13[%dma_wait3A_34, %dma_wait3A_35] : memref<10112x64xf32, #tpu.memory_space<vmem_shared>> -> memref<10112x64xf32, #tpu.memory_space<vmem_shared>>
    tpu.wait_indirect_dma semaphore(%arg11 : memref<!tpu.dma_semaphore, #tpu.memory_space<semaphore_mem>>) src(%dma_wait3A_36 : memref<10112x64xf32, #tpu.memory_space<vmem_shared>>) dst(%arg8 : memref<128x64xf32, #tpu.memory_space<vmem>>)
    %barrier3A_37 = arith.constant 0 : index
    tpu.barrier barrier_id(%barrier3A_37)
    "tpu.region"() ({
      %run_scoped3A = tpu.sem_alloc : memref<!tpu.dma_semaphore, #tpu.memory_space<semaphore_mem>>
      %dma_start3A_38 = arith.constant 0 : i32
      %dma_start3A_39 = tpu.memref_slice %arg5[%arg0, %mul3A_2, %dma_start3A_38] : memref<2x10112x64xf32, #tpu.memory_space<hbm>> -> memref<1x632x64xf32, #tpu.memory_space<hbm>>
      %dma_start3A_40 = tpu.memref_squeeze %dma_start3A_39 : memref<1x632x64xf32, #tpu.memory_space<hbm>> -> memref<632x64xf32, #tpu.memory_space<hbm>>
      %dma_start3A_41 = arith.constant 0 : i32
      %dma_start3A_42 = tpu.memref_slice %arg14[%mul3A_2, %dma_start3A_41] : memref<10112x64xf32, #tpu.memory_space<vmem_shared>> -> memref<632x64xf32, #tpu.memory_space<vmem_shared>>
      tpu.enqueue_dma source(%dma_start3A_42 : memref<632x64xf32, #tpu.memory_space<vmem_shared>>) target(%dma_start3A_40 : memref<632x64xf32, #tpu.memory_space<hbm>>) target_semaphore(%run_scoped3A : memref<!tpu.dma_semaphore, #tpu.memory_space<semaphore_mem>>)
      %dma_wait3A_43 = arith.constant 0 : i32
      %dma_wait3A_44 = tpu.memref_slice %arg5[%arg0, %mul3A_2, %dma_wait3A_43] : memref<2x10112x64xf32, #tpu.memory_space<hbm>> -> memref<1x632x64xf32, #tpu.memory_space<hbm>>
      %dma_wait3A_45 = tpu.memref_squeeze %dma_wait3A_44 : memref<1x632x64xf32, #tpu.memory_space<hbm>> -> memref<632x64xf32, #tpu.memory_space<hbm>>
      %dma_wait3A_46 = arith.constant 0 : i32
      %dma_wait3A_47 = tpu.memref_slice %arg14[%mul3A_2, %dma_wait3A_46] : memref<10112x64xf32, #tpu.memory_space<vmem_shared>> -> memref<632x64xf32, #tpu.memory_space<vmem_shared>>
      tpu.wait_dma2 semaphore(%run_scoped3A : memref<!tpu.dma_semaphore, #tpu.memory_space<semaphore_mem>>) src(%dma_wait3A_47 : memref<632x64xf32, #tpu.memory_space<vmem_shared>>) dst(%dma_wait3A_45 : memref<632x64xf32, #tpu.memory_space<hbm>>)
      tpu.yield
    }) : () -> ()
    return
  }
}

#map = affine_map<(d0, d1) -> (0, 0)>
#map1 = affine_map<(d0, d1) -> (0)>
#map2 = affine_map<(d0, d1) -> (0, 0, 0)>
module attributes {stable_mosaic.version = 14 : i64} {
  func.func @_sc_prop_body(%arg0: i32, %arg1: i32, %arg2: memref<10112x64xf32, #tpu.memory_space<hbm>>, %arg3: memref<327680xi32, #tpu.memory_space<hbm>>, %arg4: memref<2560x128xi32, #tpu.memory_space<hbm>>, %arg5: memref<2x10112x64xf32, #tpu.memory_space<hbm>>, %arg6: memref<10240xi32, #tpu.memory_space<vmem>>, %arg7: memref<80x128xi32, #tpu.memory_space<vmem>>, %arg8: memref<128x64xf32, #tpu.memory_space<vmem>>, %arg9: memref<128x64xf32, #tpu.memory_space<vmem>>, %arg10: memref<128x64xf32, #tpu.memory_space<vmem>>, %arg11: memref<!tpu.dma_semaphore, #tpu.memory_space<semaphore_mem>>, %arg12: memref<!tpu.dma_semaphore, #tpu.memory_space<semaphore_mem>>, %arg13: memref<10112x64xf32, #tpu.memory_space<vmem_shared>>, %arg14: memref<10112x64xf32, #tpu.memory_space<vmem_shared>>) attributes {dimension_semantics = [#tpu.dimension_semantics<core_parallel>, #tpu.dimension_semantics<subcore_parallel>], iteration_bounds = array<i64: 2, 16>, scalar_prefetch = 0 : i64, scratch_operands = 9 : i64, tpu.core_type = #tpu.core_type<sc_vector_subcore>, window_params = [{transform_indices = #map}, {transform_indices = #map1}, {transform_indices = #map}, {transform_indices = #map2}]} {
    %mul3A = arith.constant 2 : i32
    %mul3A_0 = arith.muli %arg1, %mul3A : i32
    %add3A = arith.addi %mul3A_0, %arg0 : i32
    %mul3A_1 = arith.constant 632 : i32
    %mul3A_2 = arith.muli %arg1, %mul3A_1 : i32
    "tpu.region"() ({
      %run_scoped3A = tpu.sem_alloc : memref<!tpu.dma_semaphore, #tpu.memory_space<semaphore_mem>>
      %dma_start3A_38 = arith.constant 0 : i32
      %dma_start3A_39 = tpu.memref_slice %arg13[%mul3A_2, %dma_start3A_38] : memref<10112x64xf32, #tpu.memory_space<vmem_shared>> -> memref<632x64xf32, #tpu.memory_space<vmem_shared>>
      %dma_start3A_40 = arith.constant 0 : i32
      %dma_start3A_41 = tpu.memref_slice %arg2[%mul3A_2, %dma_start3A_40] : memref<10112x64xf32, #tpu.memory_space<hbm>> -> memref<632x64xf32, #tpu.memory_space<hbm>>
      tpu.enqueue_dma source(%dma_start3A_41 : memref<632x64xf32, #tpu.memory_space<hbm>>) target(%dma_start3A_39 : memref<632x64xf32, #tpu.memory_space<vmem_shared>>) target_semaphore(%run_scoped3A : memref<!tpu.dma_semaphore, #tpu.memory_space<semaphore_mem>>)
      %dma_wait3A_42 = arith.constant 0 : i32
      %dma_wait3A_43 = tpu.memref_slice %arg13[%mul3A_2, %dma_wait3A_42] : memref<10112x64xf32, #tpu.memory_space<vmem_shared>> -> memref<632x64xf32, #tpu.memory_space<vmem_shared>>
      %dma_wait3A_44 = arith.constant 0 : i32
      %dma_wait3A_45 = tpu.memref_slice %arg2[%mul3A_2, %dma_wait3A_44] : memref<10112x64xf32, #tpu.memory_space<hbm>> -> memref<632x64xf32, #tpu.memory_space<hbm>>
      tpu.wait_dma2 semaphore(%run_scoped3A : memref<!tpu.dma_semaphore, #tpu.memory_space<semaphore_mem>>) src(%dma_wait3A_45 : memref<632x64xf32, #tpu.memory_space<hbm>>) dst(%dma_wait3A_43 : memref<632x64xf32, #tpu.memory_space<vmem_shared>>)
      tpu.yield
    }) : () -> ()
    %broadcast_in_dim3A = arith.constant 0.000000e+00 : f32
    %broadcast_in_dim3A_3 = vector.broadcast %broadcast_in_dim3A : f32 to vector<16xf32>
    %scan3A = arith.constant 0 : i32
    %scan3A_4 = arith.constant 0 : i32
    %scan3A_5 = arith.constant 128 : i32
    %scan3A_6 = arith.addi %scan3A_4, %scan3A_5 : i32
    %scan3A_7 = arith.constant 1 : i32
    scf.for %scan3A_38 = %scan3A_4 to %scan3A_6 step %scan3A_7  : i32 {
      %swap3A = arith.index_cast %scan3A_38 : i32 to index
      %swap3A_39 = arith.constant 0 : index
      %swap3A_40 = tpu.vector_load %arg10[%swap3A, %swap3A_39] {strides = array<i32>} : memref<128x64xf32, #tpu.memory_space<vmem>>, vector<1x16xf32>,
      %swap3A_41 = vector.shape_cast %swap3A_40 : vector<1x16xf32> to vector<16xf32>
      %swap3A_42 = vector.shape_cast %broadcast_in_dim3A_3 : vector<16xf32> to vector<1x16xf32>
      tpu.vector_store %arg10[%swap3A, %swap3A_39], %swap3A_42 {strides = array<i32>} : memref<128x64xf32, #tpu.memory_space<vmem>>, vector<1x16xf32>,
      %swap3A_43 = arith.index_cast %scan3A_38 : i32 to index
      %swap3A_44 = arith.constant 16 : index
      %swap3A_45 = tpu.vector_load %arg10[%swap3A_43, %swap3A_44] {strides = array<i32>} : memref<128x64xf32, #tpu.memory_space<vmem>>, vector<1x16xf32>,
      %swap3A_46 = vector.shape_cast %swap3A_45 : vector<1x16xf32> to vector<16xf32>
      %swap3A_47 = vector.shape_cast %broadcast_in_dim3A_3 : vector<16xf32> to vector<1x16xf32>
      tpu.vector_store %arg10[%swap3A_43, %swap3A_44], %swap3A_47 {strides = array<i32>} : memref<128x64xf32, #tpu.memory_space<vmem>>, vector<1x16xf32>,
      %swap3A_48 = arith.index_cast %scan3A_38 : i32 to index
      %swap3A_49 = arith.constant 32 : index
      %swap3A_50 = tpu.vector_load %arg10[%swap3A_48, %swap3A_49] {strides = array<i32>} : memref<128x64xf32, #tpu.memory_space<vmem>>, vector<1x16xf32>,
      %swap3A_51 = vector.shape_cast %swap3A_50 : vector<1x16xf32> to vector<16xf32>
      %swap3A_52 = vector.shape_cast %broadcast_in_dim3A_3 : vector<16xf32> to vector<1x16xf32>
      tpu.vector_store %arg10[%swap3A_48, %swap3A_49], %swap3A_52 {strides = array<i32>} : memref<128x64xf32, #tpu.memory_space<vmem>>, vector<1x16xf32>,
      %swap3A_53 = arith.index_cast %scan3A_38 : i32 to index
      %swap3A_54 = arith.constant 48 : index
      %swap3A_55 = tpu.vector_load %arg10[%swap3A_53, %swap3A_54] {strides = array<i32>} : memref<128x64xf32, #tpu.memory_space<vmem>>, vector<1x16xf32>,
      %swap3A_56 = vector.shape_cast %swap3A_55 : vector<1x16xf32> to vector<16xf32>
      %swap3A_57 = vector.shape_cast %broadcast_in_dim3A_3 : vector<16xf32> to vector<1x16xf32>
      tpu.vector_store %arg10[%swap3A_53, %swap3A_54], %swap3A_57 {strides = array<i32>} : memref<128x64xf32, #tpu.memory_space<vmem>>, vector<1x16xf32>,
    }
    %scan3A_8 = arith.constant 128 : i32
    %add3A_9 = arith.constant 0 : i32
    %add3A_10 = arith.addi %mul3A_2, %add3A_9 : i32
    "tpu.region"() ({
      %run_scoped3A = tpu.sem_alloc : memref<!tpu.dma_semaphore, #tpu.memory_space<semaphore_mem>>
      %dma_start3A_38 = arith.constant 0 : i32
      %dma_start3A_39 = tpu.memref_slice %arg14[%add3A_10, %dma_start3A_38] : memref<10112x64xf32, #tpu.memory_space<vmem_shared>> -> memref<128x64xf32, #tpu.memory_space<vmem_shared>>
      %dma_start3A_40 = arith.constant 0 : i32
      %dma_start3A_41 = tpu.memref_slice %arg14[%add3A_10, %dma_start3A_40] : memref<10112x64xf32, #tpu.memory_space<vmem_shared>> -> memref<128x64xf32, #tpu.memory_space<vmem_shared>>
      tpu.enqueue_dma source(%arg10 : memref<128x64xf32, #tpu.memory_space<vmem>>) target(%dma_start3A_41 : memref<128x64xf32, #tpu.memory_space<vmem_shared>>) target_semaphore(%run_scoped3A : memref<!tpu.dma_semaphore, #tpu.memory_space<semaphore_mem>>)
      %dma_wait3A_42 = arith.constant 0 : i32
      %dma_wait3A_43 = tpu.memref_slice %arg14[%add3A_10, %dma_wait3A_42] : memref<10112x64xf32, #tpu.memory_space<vmem_shared>> -> memref<128x64xf32, #tpu.memory_space<vmem_shared>>
      %dma_wait3A_44 = arith.constant 0 : i32
      %dma_wait3A_45 = tpu.memref_slice %arg14[%add3A_10, %dma_wait3A_44] : memref<10112x64xf32, #tpu.memory_space<vmem_shared>> -> memref<128x64xf32, #tpu.memory_space<vmem_shared>>
      tpu.wait_dma2 semaphore(%run_scoped3A : memref<!tpu.dma_semaphore, #tpu.memory_space<semaphore_mem>>) src(%arg10 : memref<128x64xf32, #tpu.memory_space<vmem>>) dst(%dma_wait3A_45 : memref<128x64xf32, #tpu.memory_space<vmem_shared>>)
      tpu.yield
    }) : () -> ()
    %add3A_11 = arith.constant 128 : i32
    %add3A_12 = arith.addi %mul3A_2, %add3A_11 : i32
    "tpu.region"() ({
      %run_scoped3A = tpu.sem_alloc : memref<!tpu.dma_semaphore, #tpu.memory_space<semaphore_mem>>
      %dma_start3A_38 = arith.constant 0 : i32
      %dma_start3A_39 = tpu.memref_slice %arg14[%add3A_12, %dma_start3A_38] : memref<10112x64xf32, #tpu.memory_space<vmem_shared>> -> memref<128x64xf32, #tpu.memory_space<vmem_shared>>
      %dma_start3A_40 = arith.constant 0 : i32
      %dma_start3A_41 = tpu.memref_slice %arg14[%add3A_12, %dma_start3A_40] : memref<10112x64xf32, #tpu.memory_space<vmem_shared>> -> memref<128x64xf32, #tpu.memory_space<vmem_shared>>
      tpu.enqueue_dma source(%arg10 : memref<128x64xf32, #tpu.memory_space<vmem>>) target(%dma_start3A_41 : memref<128x64xf32, #tpu.memory_space<vmem_shared>>) target_semaphore(%run_scoped3A : memref<!tpu.dma_semaphore, #tpu.memory_space<semaphore_mem>>)
      %dma_wait3A_42 = arith.constant 0 : i32
      %dma_wait3A_43 = tpu.memref_slice %arg14[%add3A_12, %dma_wait3A_42] : memref<10112x64xf32, #tpu.memory_space<vmem_shared>> -> memref<128x64xf32, #tpu.memory_space<vmem_shared>>
      %dma_wait3A_44 = arith.constant 0 : i32
      %dma_wait3A_45 = tpu.memref_slice %arg14[%add3A_12, %dma_wait3A_44] : memref<10112x64xf32, #tpu.memory_space<vmem_shared>> -> memref<128x64xf32, #tpu.memory_space<vmem_shared>>
      tpu.wait_dma2 semaphore(%run_scoped3A : memref<!tpu.dma_semaphore, #tpu.memory_space<semaphore_mem>>) src(%arg10 : memref<128x64xf32, #tpu.memory_space<vmem>>) dst(%dma_wait3A_45 : memref<128x64xf32, #tpu.memory_space<vmem_shared>>)
      tpu.yield
    }) : () -> ()
    %add3A_13 = arith.constant 256 : i32
    %add3A_14 = arith.addi %mul3A_2, %add3A_13 : i32
    "tpu.region"() ({
      %run_scoped3A = tpu.sem_alloc : memref<!tpu.dma_semaphore, #tpu.memory_space<semaphore_mem>>
      %dma_start3A_38 = arith.constant 0 : i32
      %dma_start3A_39 = tpu.memref_slice %arg14[%add3A_14, %dma_start3A_38] : memref<10112x64xf32, #tpu.memory_space<vmem_shared>> -> memref<128x64xf32, #tpu.memory_space<vmem_shared>>
      %dma_start3A_40 = arith.constant 0 : i32
      %dma_start3A_41 = tpu.memref_slice %arg14[%add3A_14, %dma_start3A_40] : memref<10112x64xf32, #tpu.memory_space<vmem_shared>> -> memref<128x64xf32, #tpu.memory_space<vmem_shared>>
      tpu.enqueue_dma source(%arg10 : memref<128x64xf32, #tpu.memory_space<vmem>>) target(%dma_start3A_41 : memref<128x64xf32, #tpu.memory_space<vmem_shared>>) target_semaphore(%run_scoped3A : memref<!tpu.dma_semaphore, #tpu.memory_space<semaphore_mem>>)
      %dma_wait3A_42 = arith.constant 0 : i32
      %dma_wait3A_43 = tpu.memref_slice %arg14[%add3A_14, %dma_wait3A_42] : memref<10112x64xf32, #tpu.memory_space<vmem_shared>> -> memref<128x64xf32, #tpu.memory_space<vmem_shared>>
      %dma_wait3A_44 = arith.constant 0 : i32
      %dma_wait3A_45 = tpu.memref_slice %arg14[%add3A_14, %dma_wait3A_44] : memref<10112x64xf32, #tpu.memory_space<vmem_shared>> -> memref<128x64xf32, #tpu.memory_space<vmem_shared>>
      tpu.wait_dma2 semaphore(%run_scoped3A : memref<!tpu.dma_semaphore, #tpu.memory_space<semaphore_mem>>) src(%arg10 : memref<128x64xf32, #tpu.memory_space<vmem>>) dst(%dma_wait3A_45 : memref<128x64xf32, #tpu.memory_space<vmem_shared>>)
      tpu.yield
    }) : () -> ()
    %add3A_15 = arith.constant 384 : i32
    %add3A_16 = arith.addi %mul3A_2, %add3A_15 : i32
    "tpu.region"() ({
      %run_scoped3A = tpu.sem_alloc : memref<!tpu.dma_semaphore, #tpu.memory_space<semaphore_mem>>
      %dma_start3A_38 = arith.constant 0 : i32
      %dma_start3A_39 = tpu.memref_slice %arg14[%add3A_16, %dma_start3A_38] : memref<10112x64xf32, #tpu.memory_space<vmem_shared>> -> memref<128x64xf32, #tpu.memory_space<vmem_shared>>
      %dma_start3A_40 = arith.constant 0 : i32
      %dma_start3A_41 = tpu.memref_slice %arg14[%add3A_16, %dma_start3A_40] : memref<10112x64xf32, #tpu.memory_space<vmem_shared>> -> memref<128x64xf32, #tpu.memory_space<vmem_shared>>
      tpu.enqueue_dma source(%arg10 : memref<128x64xf32, #tpu.memory_space<vmem>>) target(%dma_start3A_41 : memref<128x64xf32, #tpu.memory_space<vmem_shared>>) target_semaphore(%run_scoped3A : memref<!tpu.dma_semaphore, #tpu.memory_space<semaphore_mem>>)
      %dma_wait3A_42 = arith.constant 0 : i32
      %dma_wait3A_43 = tpu.memref_slice %arg14[%add3A_16, %dma_wait3A_42] : memref<10112x64xf32, #tpu.memory_space<vmem_shared>> -> memref<128x64xf32, #tpu.memory_space<vmem_shared>>
      %dma_wait3A_44 = arith.constant 0 : i32
      %dma_wait3A_45 = tpu.memref_slice %arg14[%add3A_16, %dma_wait3A_44] : memref<10112x64xf32, #tpu.memory_space<vmem_shared>> -> memref<128x64xf32, #tpu.memory_space<vmem_shared>>
      tpu.wait_dma2 semaphore(%run_scoped3A : memref<!tpu.dma_semaphore, #tpu.memory_space<semaphore_mem>>) src(%arg10 : memref<128x64xf32, #tpu.memory_space<vmem>>) dst(%dma_wait3A_45 : memref<128x64xf32, #tpu.memory_space<vmem_shared>>)
      tpu.yield
    }) : () -> ()
    %add3A_17 = arith.constant 512 : i32
    %add3A_18 = arith.addi %mul3A_2, %add3A_17 : i32
    "tpu.region"() ({
      %run_scoped3A = tpu.sem_alloc : memref<!tpu.dma_semaphore, #tpu.memory_space<semaphore_mem>>
      %dma_start3A_38 = arith.constant 0 : i32
      %dma_start3A_39 = arith.constant 0 : i32
      %dma_start3A_40 = tpu.memref_slice %arg10[%dma_start3A_38, %dma_start3A_39] : memref<128x64xf32, #tpu.memory_space<vmem>> -> memref<120x64xf32, #tpu.memory_space<vmem>>
      %dma_start3A_41 = arith.constant 0 : i32
      %dma_start3A_42 = tpu.memref_slice %arg14[%add3A_18, %dma_start3A_41] : memref<10112x64xf32, #tpu.memory_space<vmem_shared>> -> memref<120x64xf32, #tpu.memory_space<vmem_shared>>
      %dma_start3A_43 = arith.constant 0 : i32
      %dma_start3A_44 = tpu.memref_slice %arg14[%add3A_18, %dma_start3A_43] : memref<10112x64xf32, #tpu.memory_space<vmem_shared>> -> memref<120x64xf32, #tpu.memory_space<vmem_shared>>
      %dma_start3A_45 = arith.constant 0 : i32
      %dma_start3A_46 = arith.constant 0 : i32
      %dma_start3A_47 = tpu.memref_slice %arg10[%dma_start3A_45, %dma_start3A_46] : memref<128x64xf32, #tpu.memory_space<vmem>> -> memref<120x64xf32, #tpu.memory_space<vmem>>
      tpu.enqueue_dma source(%dma_start3A_47 : memref<120x64xf32, #tpu.memory_space<vmem>>) target(%dma_start3A_44 : memref<120x64xf32, #tpu.memory_space<vmem_shared>>) target_semaphore(%run_scoped3A : memref<!tpu.dma_semaphore, #tpu.memory_space<semaphore_mem>>)
      %dma_wait3A_48 = arith.constant 0 : i32
      %dma_wait3A_49 = arith.constant 0 : i32
      %dma_wait3A_50 = tpu.memref_slice %arg10[%dma_wait3A_48, %dma_wait3A_49] : memref<128x64xf32, #tpu.memory_space<vmem>> -> memref<120x64xf32, #tpu.memory_space<vmem>>
      %dma_wait3A_51 = arith.constant 0 : i32
      %dma_wait3A_52 = tpu.memref_slice %arg14[%add3A_18, %dma_wait3A_51] : memref<10112x64xf32, #tpu.memory_space<vmem_shared>> -> memref<120x64xf32, #tpu.memory_space<vmem_shared>>
      %dma_wait3A_53 = arith.constant 0 : i32
      %dma_wait3A_54 = tpu.memref_slice %arg14[%add3A_18, %dma_wait3A_53] : memref<10112x64xf32, #tpu.memory_space<vmem_shared>> -> memref<120x64xf32, #tpu.memory_space<vmem_shared>>
      %dma_wait3A_55 = arith.constant 0 : i32
      %dma_wait3A_56 = arith.constant 0 : i32
      %dma_wait3A_57 = tpu.memref_slice %arg10[%dma_wait3A_55, %dma_wait3A_56] : memref<128x64xf32, #tpu.memory_space<vmem>> -> memref<120x64xf32, #tpu.memory_space<vmem>>
      tpu.wait_dma2 semaphore(%run_scoped3A : memref<!tpu.dma_semaphore, #tpu.memory_space<semaphore_mem>>) src(%dma_wait3A_57 : memref<120x64xf32, #tpu.memory_space<vmem>>) dst(%dma_wait3A_54 : memref<120x64xf32, #tpu.memory_space<vmem_shared>>)
      tpu.yield
    }) : () -> ()
    %mul3A_19 = arith.constant 80 : i32
    %mul3A_20 = arith.muli %add3A, %mul3A_19 : i32
    %mul3A_21 = arith.constant 128 : i32
    %mul3A_22 = arith.muli %mul3A_20, %mul3A_21 : i32
    "tpu.region"() ({
      %run_scoped3A = tpu.sem_alloc : memref<!tpu.dma_semaphore, #tpu.memory_space<semaphore_mem>>
      %dma_start3A_38 = tpu.memref_slice %arg3[%mul3A_22] : memref<327680xi32, #tpu.memory_space<hbm>> -> memref<10240xi32, #tpu.memory_space<hbm>>
      %dma_start3A_39 = tpu.memref_slice %arg3[%mul3A_22] : memref<327680xi32, #tpu.memory_space<hbm>> -> memref<10240xi32, #tpu.memory_space<hbm>>
      tpu.enqueue_dma source(%dma_start3A_39 : memref<10240xi32, #tpu.memory_space<hbm>>) target(%arg6 : memref<10240xi32, #tpu.memory_space<vmem>>) target_semaphore(%run_scoped3A : memref<!tpu.dma_semaphore, #tpu.memory_space<semaphore_mem>>)
      %dma_wait3A_40 = tpu.memref_slice %arg3[%mul3A_22] : memref<327680xi32, #tpu.memory_space<hbm>> -> memref<10240xi32, #tpu.memory_space<hbm>>
      %dma_wait3A_41 = tpu.memref_slice %arg3[%mul3A_22] : memref<327680xi32, #tpu.memory_space<hbm>> -> memref<10240xi32, #tpu.memory_space<hbm>>
      tpu.wait_dma2 semaphore(%run_scoped3A : memref<!tpu.dma_semaphore, #tpu.memory_space<semaphore_mem>>) src(%dma_wait3A_41 : memref<10240xi32, #tpu.memory_space<hbm>>) dst(%arg6 : memref<10240xi32, #tpu.memory_space<vmem>>)
      tpu.yield
    }) : () -> ()
    "tpu.region"() ({
      %run_scoped3A = tpu.sem_alloc : memref<!tpu.dma_semaphore, #tpu.memory_space<semaphore_mem>>
      %dma_start3A_38 = arith.constant 0 : i32
      %dma_start3A_39 = tpu.memref_slice %arg4[%mul3A_20, %dma_start3A_38] : memref<2560x128xi32, #tpu.memory_space<hbm>> -> memref<80x128xi32, #tpu.memory_space<hbm>>
      %dma_start3A_40 = arith.constant 0 : i32
      %dma_start3A_41 = tpu.memref_slice %arg4[%mul3A_20, %dma_start3A_40] : memref<2560x128xi32, #tpu.memory_space<hbm>> -> memref<80x128xi32, #tpu.memory_space<hbm>>
      tpu.enqueue_dma source(%dma_start3A_41 : memref<80x128xi32, #tpu.memory_space<hbm>>) target(%arg7 : memref<80x128xi32, #tpu.memory_space<vmem>>) target_semaphore(%run_scoped3A : memref<!tpu.dma_semaphore, #tpu.memory_space<semaphore_mem>>)
      %dma_wait3A_42 = arith.constant 0 : i32
      %dma_wait3A_43 = tpu.memref_slice %arg4[%mul3A_20, %dma_wait3A_42] : memref<2560x128xi32, #tpu.memory_space<hbm>> -> memref<80x128xi32, #tpu.memory_space<hbm>>
      %dma_wait3A_44 = arith.constant 0 : i32
      %dma_wait3A_45 = tpu.memref_slice %arg4[%mul3A_20, %dma_wait3A_44] : memref<2560x128xi32, #tpu.memory_space<hbm>> -> memref<80x128xi32, #tpu.memory_space<hbm>>
      tpu.wait_dma2 semaphore(%run_scoped3A : memref<!tpu.dma_semaphore, #tpu.memory_space<semaphore_mem>>) src(%dma_wait3A_45 : memref<80x128xi32, #tpu.memory_space<hbm>>) dst(%arg7 : memref<80x128xi32, #tpu.memory_space<vmem>>)
      tpu.yield
    }) : () -> ()
    %barrier3A = arith.constant 0 : index
    tpu.barrier barrier_id(%barrier3A)
    %dma_start3A = arith.constant 0 : i32
    %dma_start3A_23 = tpu.memref_slice %arg6[%dma_start3A] : memref<10240xi32, #tpu.memory_space<vmem>> -> memref<128xi32, #tpu.memory_space<vmem>>
    %dma_start3A_24 = arith.constant 0 : i32
    %dma_start3A_25 = arith.constant 0 : i32
    %dma_start3A_26 = tpu.memref_slice %arg13[%dma_start3A_24, %dma_start3A_25] : memref<10112x64xf32, #tpu.memory_space<vmem_shared>> -> memref<10112x64xf32, #tpu.memory_space<vmem_shared>>
    tpu.enqueue_indirect_dma source(%dma_start3A_26 : memref<10112x64xf32, #tpu.memory_space<vmem_shared>>) target(%arg8 : memref<128x64xf32, #tpu.memory_space<vmem>>) offsets(%dma_start3A_23 : memref<128xi32, #tpu.memory_space<vmem>>) semaphore(%arg11 : memref<!tpu.dma_semaphore, #tpu.memory_space<semaphore_mem>>)
    %scan3A_27 = arith.constant 0 : i32
    %scan3A_28 = arith.constant 0 : i32
    %scan3A_29 = arith.constant 10 : i32
    %scan3A_30 = arith.addi %scan3A_28, %scan3A_29 : i32
    %scan3A_31 = arith.constant 1 : i32
    scf.for %scan3A_38 = %scan3A_28 to %scan3A_30 step %scan3A_31  : i32 {
      %mul3A_39 = arith.constant 8 : i32
      %mul3A_40 = arith.muli %mul3A_39, %scan3A_38 : i32
      %add3A_41 = arith.constant 0 : i32
      %add3A_42 = arith.addi %mul3A_40, %add3A_41 : i32
      %add3A_43 = arith.constant 1 : i32
      %add3A_44 = arith.addi %add3A_42, %add3A_43 : i32
      %min3A = arith.constant 79 : i32
      %min3A_45 = arith.minsi %add3A_44, %min3A : i32
      %mul3A_46 = arith.constant 128 : i32
      %mul3A_47 = arith.muli %min3A_45, %mul3A_46 : i32
      %dma_start3A_48 = tpu.memref_slice %arg6[%mul3A_47] : memref<10240xi32, #tpu.memory_space<vmem>> -> memref<128xi32, #tpu.memory_space<vmem>>
      %dma_start3A_49 = arith.constant 0 : i32
      %dma_start3A_50 = arith.constant 0 : i32
      %dma_start3A_51 = tpu.memref_slice %arg13[%dma_start3A_49, %dma_start3A_50] : memref<10112x64xf32, #tpu.memory_space<vmem_shared>> -> memref<10112x64xf32, #tpu.memory_space<vmem_shared>>
      tpu.enqueue_indirect_dma source(%dma_start3A_51 : memref<10112x64xf32, #tpu.memory_space<vmem_shared>>) target(%arg9 : memref<128x64xf32, #tpu.memory_space<vmem>>) offsets(%dma_start3A_48 : memref<128xi32, #tpu.memory_space<vmem>>) semaphore(%arg12 : memref<!tpu.dma_semaphore, #tpu.memory_space<semaphore_mem>>)
      %add3A_52 = arith.constant 0 : i32
      %add3A_53 = arith.addi %mul3A_40, %add3A_52 : i32
      %mul3A_54 = arith.constant 128 : i32
      %mul3A_55 = arith.muli %add3A_53, %mul3A_54 : i32
      %dma_wait3A_56 = tpu.memref_slice %arg6[%mul3A_55] : memref<10240xi32, #tpu.memory_space<vmem>> -> memref<128xi32, #tpu.memory_space<vmem>>
      %dma_wait3A_57 = arith.constant 0 : i32
      %dma_wait3A_58 = arith.constant 0 : i32
      %dma_wait3A_59 = tpu.memref_slice %arg13[%dma_wait3A_57, %dma_wait3A_58] : memref<10112x64xf32, #tpu.memory_space<vmem_shared>> -> memref<10112x64xf32, #tpu.memory_space<vmem_shared>>
      tpu.wait_indirect_dma semaphore(%arg11 : memref<!tpu.dma_semaphore, #tpu.memory_space<semaphore_mem>>) src(%dma_wait3A_59 : memref<10112x64xf32, #tpu.memory_space<vmem_shared>>) dst(%arg8 : memref<128x64xf32, #tpu.memory_space<vmem>>)
      %add3A_60 = arith.constant 0 : i32
      %add3A_61 = arith.addi %mul3A_40, %add3A_60 : i32
      "tpu.region"() ({
        %run_scoped3A = tpu.sem_alloc : memref<!tpu.dma_semaphore, #tpu.memory_space<semaphore_mem>>
        %dma_start3A_216 = arith.constant 0 : i32
        %dma_start3A_217 = tpu.memref_slice %arg7[%add3A_61, %dma_start3A_216] : memref<80x128xi32, #tpu.memory_space<vmem>> -> memref<1x128xi32, #tpu.memory_space<vmem>>
        %dma_start3A_218 = tpu.memref_squeeze %dma_start3A_217 : memref<1x128xi32, #tpu.memory_space<vmem>> -> memref<128xi32, #tpu.memory_space<vmem>>
        %dma_start3A_219 = arith.constant 0 : i32
        %dma_start3A_220 = arith.constant 0 : i32
        %dma_start3A_221 = tpu.memref_slice %arg14[%dma_start3A_219, %dma_start3A_220] : memref<10112x64xf32, #tpu.memory_space<vmem_shared>> -> memref<10112x64xf32, #tpu.memory_space<vmem_shared>>
        tpu.enqueue_indirect_dma source(%arg8 : memref<128x64xf32, #tpu.memory_space<vmem>>) target(%dma_start3A_221 : memref<10112x64xf32, #tpu.memory_space<vmem_shared>>) offsets(%dma_start3A_218 : memref<128xi32, #tpu.memory_space<vmem>>) semaphore(%run_scoped3A : memref<!tpu.dma_semaphore, #tpu.memory_space<semaphore_mem>>) {add = true}
        %dma_wait3A_222 = arith.constant 0 : i32
        %dma_wait3A_223 = tpu.memref_slice %arg7[%add3A_61, %dma_wait3A_222] : memref<80x128xi32, #tpu.memory_space<vmem>> -> memref<1x128xi32, #tpu.memory_space<vmem>>
        %dma_wait3A_224 = tpu.memref_squeeze %dma_wait3A_223 : memref<1x128xi32, #tpu.memory_space<vmem>> -> memref<128xi32, #tpu.memory_space<vmem>>
        %dma_wait3A_225 = arith.constant 0 : i32
        %dma_wait3A_226 = arith.constant 0 : i32
        %dma_wait3A_227 = tpu.memref_slice %arg14[%dma_wait3A_225, %dma_wait3A_226] : memref<10112x64xf32, #tpu.memory_space<vmem_shared>> -> memref<10112x64xf32, #tpu.memory_space<vmem_shared>>
        tpu.wait_indirect_dma semaphore(%run_scoped3A : memref<!tpu.dma_semaphore, #tpu.memory_space<semaphore_mem>>) src(%arg8 : memref<128x64xf32, #tpu.memory_space<vmem>>) dst(%dma_wait3A_227 : memref<10112x64xf32, #tpu.memory_space<vmem_shared>>)
        tpu.yield
      }) : () -> ()
      %add3A_62 = arith.constant 1 : i32
      %add3A_63 = arith.addi %mul3A_40, %add3A_62 : i32
      %add3A_64 = arith.constant 1 : i32
      %add3A_65 = arith.addi %add3A_63, %add3A_64 : i32
      %min3A_66 = arith.constant 79 : i32
      %min3A_67 = arith.minsi %add3A_65, %min3A_66 : i32
      %mul3A_68 = arith.constant 128 : i32
      %mul3A_69 = arith.muli %min3A_67, %mul3A_68 : i32
      %dma_start3A_70 = tpu.memref_slice %arg6[%mul3A_69] : memref<10240xi32, #tpu.memory_space<vmem>> -> memref<128xi32, #tpu.memory_space<vmem>>
      %dma_start3A_71 = arith.constant 0 : i32
      %dma_start3A_72 = arith.constant 0 : i32
      %dma_start3A_73 = tpu.memref_slice %arg13[%dma_start3A_71, %dma_start3A_72] : memref<10112x64xf32, #tpu.memory_space<vmem_shared>> -> memref<10112x64xf32, #tpu.memory_space<vmem_shared>>
      tpu.enqueue_indirect_dma source(%dma_start3A_73 : memref<10112x64xf32, #tpu.memory_space<vmem_shared>>) target(%arg8 : memref<128x64xf32, #tpu.memory_space<vmem>>) offsets(%dma_start3A_70 : memref<128xi32, #tpu.memory_space<vmem>>) semaphore(%arg11 : memref<!tpu.dma_semaphore, #tpu.memory_space<semaphore_mem>>)
      %add3A_74 = arith.constant 1 : i32
      %add3A_75 = arith.addi %mul3A_40, %add3A_74 : i32
      %mul3A_76 = arith.constant 128 : i32
      %mul3A_77 = arith.muli %add3A_75, %mul3A_76 : i32
      %dma_wait3A_78 = tpu.memref_slice %arg6[%mul3A_77] : memref<10240xi32, #tpu.memory_space<vmem>> -> memref<128xi32, #tpu.memory_space<vmem>>
      %dma_wait3A_79 = arith.constant 0 : i32
      %dma_wait3A_80 = arith.constant 0 : i32
      %dma_wait3A_81 = tpu.memref_slice %arg13[%dma_wait3A_79, %dma_wait3A_80] : memref<10112x64xf32, #tpu.memory_space<vmem_shared>> -> memref<10112x64xf32, #tpu.memory_space<vmem_shared>>
      tpu.wait_indirect_dma semaphore(%arg12 : memref<!tpu.dma_semaphore, #tpu.memory_space<semaphore_mem>>) src(%dma_wait3A_81 : memref<10112x64xf32, #tpu.memory_space<vmem_shared>>) dst(%arg9 : memref<128x64xf32, #tpu.memory_space<vmem>>)
      %add3A_82 = arith.constant 1 : i32
      %add3A_83 = arith.addi %mul3A_40, %add3A_82 : i32
      "tpu.region"() ({
        %run_scoped3A = tpu.sem_alloc : memref<!tpu.dma_semaphore, #tpu.memory_space<semaphore_mem>>
        %dma_start3A_216 = arith.constant 0 : i32
        %dma_start3A_217 = tpu.memref_slice %arg7[%add3A_83, %dma_start3A_216] : memref<80x128xi32, #tpu.memory_space<vmem>> -> memref<1x128xi32, #tpu.memory_space<vmem>>
        %dma_start3A_218 = tpu.memref_squeeze %dma_start3A_217 : memref<1x128xi32, #tpu.memory_space<vmem>> -> memref<128xi32, #tpu.memory_space<vmem>>
        %dma_start3A_219 = arith.constant 0 : i32
        %dma_start3A_220 = arith.constant 0 : i32
        %dma_start3A_221 = tpu.memref_slice %arg14[%dma_start3A_219, %dma_start3A_220] : memref<10112x64xf32, #tpu.memory_space<vmem_shared>> -> memref<10112x64xf32, #tpu.memory_space<vmem_shared>>
        tpu.enqueue_indirect_dma source(%arg9 : memref<128x64xf32, #tpu.memory_space<vmem>>) target(%dma_start3A_221 : memref<10112x64xf32, #tpu.memory_space<vmem_shared>>) offsets(%dma_start3A_218 : memref<128xi32, #tpu.memory_space<vmem>>) semaphore(%run_scoped3A : memref<!tpu.dma_semaphore, #tpu.memory_space<semaphore_mem>>) {add = true}
        %dma_wait3A_222 = arith.constant 0 : i32
        %dma_wait3A_223 = tpu.memref_slice %arg7[%add3A_83, %dma_wait3A_222] : memref<80x128xi32, #tpu.memory_space<vmem>> -> memref<1x128xi32, #tpu.memory_space<vmem>>
        %dma_wait3A_224 = tpu.memref_squeeze %dma_wait3A_223 : memref<1x128xi32, #tpu.memory_space<vmem>> -> memref<128xi32, #tpu.memory_space<vmem>>
        %dma_wait3A_225 = arith.constant 0 : i32
        %dma_wait3A_226 = arith.constant 0 : i32
        %dma_wait3A_227 = tpu.memref_slice %arg14[%dma_wait3A_225, %dma_wait3A_226] : memref<10112x64xf32, #tpu.memory_space<vmem_shared>> -> memref<10112x64xf32, #tpu.memory_space<vmem_shared>>
        tpu.wait_indirect_dma semaphore(%run_scoped3A : memref<!tpu.dma_semaphore, #tpu.memory_space<semaphore_mem>>) src(%arg9 : memref<128x64xf32, #tpu.memory_space<vmem>>) dst(%dma_wait3A_227 : memref<10112x64xf32, #tpu.memory_space<vmem_shared>>)
        tpu.yield
      }) : () -> ()
      %add3A_84 = arith.constant 2 : i32
      %add3A_85 = arith.addi %mul3A_40, %add3A_84 : i32
      %add3A_86 = arith.constant 1 : i32
      %add3A_87 = arith.addi %add3A_85, %add3A_86 : i32
      %min3A_88 = arith.constant 79 : i32
      %min3A_89 = arith.minsi %add3A_87, %min3A_88 : i32
      %mul3A_90 = arith.constant 128 : i32
      %mul3A_91 = arith.muli %min3A_89, %mul3A_90 : i32
      %dma_start3A_92 = tpu.memref_slice %arg6[%mul3A_91] : memref<10240xi32, #tpu.memory_space<vmem>> -> memref<128xi32, #tpu.memory_space<vmem>>
      %dma_start3A_93 = arith.constant 0 : i32
      %dma_start3A_94 = arith.constant 0 : i32
      %dma_start3A_95 = tpu.memref_slice %arg13[%dma_start3A_93, %dma_start3A_94] : memref<10112x64xf32, #tpu.memory_space<vmem_shared>> -> memref<10112x64xf32, #tpu.memory_space<vmem_shared>>
      tpu.enqueue_indirect_dma source(%dma_start3A_95 : memref<10112x64xf32, #tpu.memory_space<vmem_shared>>) target(%arg9 : memref<128x64xf32, #tpu.memory_space<vmem>>) offsets(%dma_start3A_92 : memref<128xi32, #tpu.memory_space<vmem>>) semaphore(%arg12 : memref<!tpu.dma_semaphore, #tpu.memory_space<semaphore_mem>>)
      %add3A_96 = arith.constant 2 : i32
      %add3A_97 = arith.addi %mul3A_40, %add3A_96 : i32
      %mul3A_98 = arith.constant 128 : i32
      %mul3A_99 = arith.muli %add3A_97, %mul3A_98 : i32
      %dma_wait3A_100 = tpu.memref_slice %arg6[%mul3A_99] : memref<10240xi32, #tpu.memory_space<vmem>> -> memref<128xi32, #tpu.memory_space<vmem>>
      %dma_wait3A_101 = arith.constant 0 : i32
      %dma_wait3A_102 = arith.constant 0 : i32
      %dma_wait3A_103 = tpu.memref_slice %arg13[%dma_wait3A_101, %dma_wait3A_102] : memref<10112x64xf32, #tpu.memory_space<vmem_shared>> -> memref<10112x64xf32, #tpu.memory_space<vmem_shared>>
      tpu.wait_indirect_dma semaphore(%arg11 : memref<!tpu.dma_semaphore, #tpu.memory_space<semaphore_mem>>) src(%dma_wait3A_103 : memref<10112x64xf32, #tpu.memory_space<vmem_shared>>) dst(%arg8 : memref<128x64xf32, #tpu.memory_space<vmem>>)
      %add3A_104 = arith.constant 2 : i32
      %add3A_105 = arith.addi %mul3A_40, %add3A_104 : i32
      "tpu.region"() ({
        %run_scoped3A = tpu.sem_alloc : memref<!tpu.dma_semaphore, #tpu.memory_space<semaphore_mem>>
        %dma_start3A_216 = arith.constant 0 : i32
        %dma_start3A_217 = tpu.memref_slice %arg7[%add3A_105, %dma_start3A_216] : memref<80x128xi32, #tpu.memory_space<vmem>> -> memref<1x128xi32, #tpu.memory_space<vmem>>
        %dma_start3A_218 = tpu.memref_squeeze %dma_start3A_217 : memref<1x128xi32, #tpu.memory_space<vmem>> -> memref<128xi32, #tpu.memory_space<vmem>>
        %dma_start3A_219 = arith.constant 0 : i32
        %dma_start3A_220 = arith.constant 0 : i32
        %dma_start3A_221 = tpu.memref_slice %arg14[%dma_start3A_219, %dma_start3A_220] : memref<10112x64xf32, #tpu.memory_space<vmem_shared>> -> memref<10112x64xf32, #tpu.memory_space<vmem_shared>>
        tpu.enqueue_indirect_dma source(%arg8 : memref<128x64xf32, #tpu.memory_space<vmem>>) target(%dma_start3A_221 : memref<10112x64xf32, #tpu.memory_space<vmem_shared>>) offsets(%dma_start3A_218 : memref<128xi32, #tpu.memory_space<vmem>>) semaphore(%run_scoped3A : memref<!tpu.dma_semaphore, #tpu.memory_space<semaphore_mem>>) {add = true}
        %dma_wait3A_222 = arith.constant 0 : i32
        %dma_wait3A_223 = tpu.memref_slice %arg7[%add3A_105, %dma_wait3A_222] : memref<80x128xi32, #tpu.memory_space<vmem>> -> memref<1x128xi32, #tpu.memory_space<vmem>>
        %dma_wait3A_224 = tpu.memref_squeeze %dma_wait3A_223 : memref<1x128xi32, #tpu.memory_space<vmem>> -> memref<128xi32, #tpu.memory_space<vmem>>
        %dma_wait3A_225 = arith.constant 0 : i32
        %dma_wait3A_226 = arith.constant 0 : i32
        %dma_wait3A_227 = tpu.memref_slice %arg14[%dma_wait3A_225, %dma_wait3A_226] : memref<10112x64xf32, #tpu.memory_space<vmem_shared>> -> memref<10112x64xf32, #tpu.memory_space<vmem_shared>>
        tpu.wait_indirect_dma semaphore(%run_scoped3A : memref<!tpu.dma_semaphore, #tpu.memory_space<semaphore_mem>>) src(%arg8 : memref<128x64xf32, #tpu.memory_space<vmem>>) dst(%dma_wait3A_227 : memref<10112x64xf32, #tpu.memory_space<vmem_shared>>)
        tpu.yield
      }) : () -> ()
      %add3A_106 = arith.constant 3 : i32
      %add3A_107 = arith.addi %mul3A_40, %add3A_106 : i32
      %add3A_108 = arith.constant 1 : i32
      %add3A_109 = arith.addi %add3A_107, %add3A_108 : i32
      %min3A_110 = arith.constant 79 : i32
      %min3A_111 = arith.minsi %add3A_109, %min3A_110 : i32
      %mul3A_112 = arith.constant 128 : i32
      %mul3A_113 = arith.muli %min3A_111, %mul3A_112 : i32
      %dma_start3A_114 = tpu.memref_slice %arg6[%mul3A_113] : memref<10240xi32, #tpu.memory_space<vmem>> -> memref<128xi32, #tpu.memory_space<vmem>>
      %dma_start3A_115 = arith.constant 0 : i32
      %dma_start3A_116 = arith.constant 0 : i32
      %dma_start3A_117 = tpu.memref_slice %arg13[%dma_start3A_115, %dma_start3A_116] : memref<10112x64xf32, #tpu.memory_space<vmem_shared>> -> memref<10112x64xf32, #tpu.memory_space<vmem_shared>>
      tpu.enqueue_indirect_dma source(%dma_start3A_117 : memref<10112x64xf32, #tpu.memory_space<vmem_shared>>) target(%arg8 : memref<128x64xf32, #tpu.memory_space<vmem>>) offsets(%dma_start3A_114 : memref<128xi32, #tpu.memory_space<vmem>>) semaphore(%arg11 : memref<!tpu.dma_semaphore, #tpu.memory_space<semaphore_mem>>)
      %add3A_118 = arith.constant 3 : i32
      %add3A_119 = arith.addi %mul3A_40, %add3A_118 : i32
      %mul3A_120 = arith.constant 128 : i32
      %mul3A_121 = arith.muli %add3A_119, %mul3A_120 : i32
      %dma_wait3A_122 = tpu.memref_slice %arg6[%mul3A_121] : memref<10240xi32, #tpu.memory_space<vmem>> -> memref<128xi32, #tpu.memory_space<vmem>>
      %dma_wait3A_123 = arith.constant 0 : i32
      %dma_wait3A_124 = arith.constant 0 : i32
      %dma_wait3A_125 = tpu.memref_slice %arg13[%dma_wait3A_123, %dma_wait3A_124] : memref<10112x64xf32, #tpu.memory_space<vmem_shared>> -> memref<10112x64xf32, #tpu.memory_space<vmem_shared>>
      tpu.wait_indirect_dma semaphore(%arg12 : memref<!tpu.dma_semaphore, #tpu.memory_space<semaphore_mem>>) src(%dma_wait3A_125 : memref<10112x64xf32, #tpu.memory_space<vmem_shared>>) dst(%arg9 : memref<128x64xf32, #tpu.memory_space<vmem>>)
      %add3A_126 = arith.constant 3 : i32
      %add3A_127 = arith.addi %mul3A_40, %add3A_126 : i32
      "tpu.region"() ({
        %run_scoped3A = tpu.sem_alloc : memref<!tpu.dma_semaphore, #tpu.memory_space<semaphore_mem>>
        %dma_start3A_216 = arith.constant 0 : i32
        %dma_start3A_217 = tpu.memref_slice %arg7[%add3A_127, %dma_start3A_216] : memref<80x128xi32, #tpu.memory_space<vmem>> -> memref<1x128xi32, #tpu.memory_space<vmem>>
        %dma_start3A_218 = tpu.memref_squeeze %dma_start3A_217 : memref<1x128xi32, #tpu.memory_space<vmem>> -> memref<128xi32, #tpu.memory_space<vmem>>
        %dma_start3A_219 = arith.constant 0 : i32
        %dma_start3A_220 = arith.constant 0 : i32
        %dma_start3A_221 = tpu.memref_slice %arg14[%dma_start3A_219, %dma_start3A_220] : memref<10112x64xf32, #tpu.memory_space<vmem_shared>> -> memref<10112x64xf32, #tpu.memory_space<vmem_shared>>
        tpu.enqueue_indirect_dma source(%arg9 : memref<128x64xf32, #tpu.memory_space<vmem>>) target(%dma_start3A_221 : memref<10112x64xf32, #tpu.memory_space<vmem_shared>>) offsets(%dma_start3A_218 : memref<128xi32, #tpu.memory_space<vmem>>) semaphore(%run_scoped3A : memref<!tpu.dma_semaphore, #tpu.memory_space<semaphore_mem>>) {add = true}
        %dma_wait3A_222 = arith.constant 0 : i32
        %dma_wait3A_223 = tpu.memref_slice %arg7[%add3A_127, %dma_wait3A_222] : memref<80x128xi32, #tpu.memory_space<vmem>> -> memref<1x128xi32, #tpu.memory_space<vmem>>
        %dma_wait3A_224 = tpu.memref_squeeze %dma_wait3A_223 : memref<1x128xi32, #tpu.memory_space<vmem>> -> memref<128xi32, #tpu.memory_space<vmem>>
        %dma_wait3A_225 = arith.constant 0 : i32
        %dma_wait3A_226 = arith.constant 0 : i32
        %dma_wait3A_227 = tpu.memref_slice %arg14[%dma_wait3A_225, %dma_wait3A_226] : memref<10112x64xf32, #tpu.memory_space<vmem_shared>> -> memref<10112x64xf32, #tpu.memory_space<vmem_shared>>
        tpu.wait_indirect_dma semaphore(%run_scoped3A : memref<!tpu.dma_semaphore, #tpu.memory_space<semaphore_mem>>) src(%arg9 : memref<128x64xf32, #tpu.memory_space<vmem>>) dst(%dma_wait3A_227 : memref<10112x64xf32, #tpu.memory_space<vmem_shared>>)
        tpu.yield
      }) : () -> ()
      %add3A_128 = arith.constant 4 : i32
      %add3A_129 = arith.addi %mul3A_40, %add3A_128 : i32
      %add3A_130 = arith.constant 1 : i32
      %add3A_131 = arith.addi %add3A_129, %add3A_130 : i32
      %min3A_132 = arith.constant 79 : i32
      %min3A_133 = arith.minsi %add3A_131, %min3A_132 : i32
      %mul3A_134 = arith.constant 128 : i32
      %mul3A_135 = arith.muli %min3A_133, %mul3A_134 : i32
      %dma_start3A_136 = tpu.memref_slice %arg6[%mul3A_135] : memref<10240xi32, #tpu.memory_space<vmem>> -> memref<128xi32, #tpu.memory_space<vmem>>
      %dma_start3A_137 = arith.constant 0 : i32
      %dma_start3A_138 = arith.constant 0 : i32
      %dma_start3A_139 = tpu.memref_slice %arg13[%dma_start3A_137, %dma_start3A_138] : memref<10112x64xf32, #tpu.memory_space<vmem_shared>> -> memref<10112x64xf32, #tpu.memory_space<vmem_shared>>
      tpu.enqueue_indirect_dma source(%dma_start3A_139 : memref<10112x64xf32, #tpu.memory_space<vmem_shared>>) target(%arg9 : memref<128x64xf32, #tpu.memory_space<vmem>>) offsets(%dma_start3A_136 : memref<128xi32, #tpu.memory_space<vmem>>) semaphore(%arg12 : memref<!tpu.dma_semaphore, #tpu.memory_space<semaphore_mem>>)
      %add3A_140 = arith.constant 4 : i32
      %add3A_141 = arith.addi %mul3A_40, %add3A_140 : i32
      %mul3A_142 = arith.constant 128 : i32
      %mul3A_143 = arith.muli %add3A_141, %mul3A_142 : i32
      %dma_wait3A_144 = tpu.memref_slice %arg6[%mul3A_143] : memref<10240xi32, #tpu.memory_space<vmem>> -> memref<128xi32, #tpu.memory_space<vmem>>
      %dma_wait3A_145 = arith.constant 0 : i32
      %dma_wait3A_146 = arith.constant 0 : i32
      %dma_wait3A_147 = tpu.memref_slice %arg13[%dma_wait3A_145, %dma_wait3A_146] : memref<10112x64xf32, #tpu.memory_space<vmem_shared>> -> memref<10112x64xf32, #tpu.memory_space<vmem_shared>>
      tpu.wait_indirect_dma semaphore(%arg11 : memref<!tpu.dma_semaphore, #tpu.memory_space<semaphore_mem>>) src(%dma_wait3A_147 : memref<10112x64xf32, #tpu.memory_space<vmem_shared>>) dst(%arg8 : memref<128x64xf32, #tpu.memory_space<vmem>>)
      %add3A_148 = arith.constant 4 : i32
      %add3A_149 = arith.addi %mul3A_40, %add3A_148 : i32
      "tpu.region"() ({
        %run_scoped3A = tpu.sem_alloc : memref<!tpu.dma_semaphore, #tpu.memory_space<semaphore_mem>>
        %dma_start3A_216 = arith.constant 0 : i32
        %dma_start3A_217 = tpu.memref_slice %arg7[%add3A_149, %dma_start3A_216] : memref<80x128xi32, #tpu.memory_space<vmem>> -> memref<1x128xi32, #tpu.memory_space<vmem>>
        %dma_start3A_218 = tpu.memref_squeeze %dma_start3A_217 : memref<1x128xi32, #tpu.memory_space<vmem>> -> memref<128xi32, #tpu.memory_space<vmem>>
        %dma_start3A_219 = arith.constant 0 : i32
        %dma_start3A_220 = arith.constant 0 : i32
        %dma_start3A_221 = tpu.memref_slice %arg14[%dma_start3A_219, %dma_start3A_220] : memref<10112x64xf32, #tpu.memory_space<vmem_shared>> -> memref<10112x64xf32, #tpu.memory_space<vmem_shared>>
        tpu.enqueue_indirect_dma source(%arg8 : memref<128x64xf32, #tpu.memory_space<vmem>>) target(%dma_start3A_221 : memref<10112x64xf32, #tpu.memory_space<vmem_shared>>) offsets(%dma_start3A_218 : memref<128xi32, #tpu.memory_space<vmem>>) semaphore(%run_scoped3A : memref<!tpu.dma_semaphore, #tpu.memory_space<semaphore_mem>>) {add = true}
        %dma_wait3A_222 = arith.constant 0 : i32
        %dma_wait3A_223 = tpu.memref_slice %arg7[%add3A_149, %dma_wait3A_222] : memref<80x128xi32, #tpu.memory_space<vmem>> -> memref<1x128xi32, #tpu.memory_space<vmem>>
        %dma_wait3A_224 = tpu.memref_squeeze %dma_wait3A_223 : memref<1x128xi32, #tpu.memory_space<vmem>> -> memref<128xi32, #tpu.memory_space<vmem>>
        %dma_wait3A_225 = arith.constant 0 : i32
        %dma_wait3A_226 = arith.constant 0 : i32
        %dma_wait3A_227 = tpu.memref_slice %arg14[%dma_wait3A_225, %dma_wait3A_226] : memref<10112x64xf32, #tpu.memory_space<vmem_shared>> -> memref<10112x64xf32, #tpu.memory_space<vmem_shared>>
        tpu.wait_indirect_dma semaphore(%run_scoped3A : memref<!tpu.dma_semaphore, #tpu.memory_space<semaphore_mem>>) src(%arg8 : memref<128x64xf32, #tpu.memory_space<vmem>>) dst(%dma_wait3A_227 : memref<10112x64xf32, #tpu.memory_space<vmem_shared>>)
        tpu.yield
      }) : () -> ()
      %add3A_150 = arith.constant 5 : i32
      %add3A_151 = arith.addi %mul3A_40, %add3A_150 : i32
      %add3A_152 = arith.constant 1 : i32
      %add3A_153 = arith.addi %add3A_151, %add3A_152 : i32
      %min3A_154 = arith.constant 79 : i32
      %min3A_155 = arith.minsi %add3A_153, %min3A_154 : i32
      %mul3A_156 = arith.constant 128 : i32
      %mul3A_157 = arith.muli %min3A_155, %mul3A_156 : i32
      %dma_start3A_158 = tpu.memref_slice %arg6[%mul3A_157] : memref<10240xi32, #tpu.memory_space<vmem>> -> memref<128xi32, #tpu.memory_space<vmem>>
      %dma_start3A_159 = arith.constant 0 : i32
      %dma_start3A_160 = arith.constant 0 : i32
      %dma_start3A_161 = tpu.memref_slice %arg13[%dma_start3A_159, %dma_start3A_160] : memref<10112x64xf32, #tpu.memory_space<vmem_shared>> -> memref<10112x64xf32, #tpu.memory_space<vmem_shared>>
      tpu.enqueue_indirect_dma source(%dma_start3A_161 : memref<10112x64xf32, #tpu.memory_space<vmem_shared>>) target(%arg8 : memref<128x64xf32, #tpu.memory_space<vmem>>) offsets(%dma_start3A_158 : memref<128xi32, #tpu.memory_space<vmem>>) semaphore(%arg11 : memref<!tpu.dma_semaphore, #tpu.memory_space<semaphore_mem>>)
      %add3A_162 = arith.constant 5 : i32
      %add3A_163 = arith.addi %mul3A_40, %add3A_162 : i32
      %mul3A_164 = arith.constant 128 : i32
      %mul3A_165 = arith.muli %add3A_163, %mul3A_164 : i32
      %dma_wait3A_166 = tpu.memref_slice %arg6[%mul3A_165] : memref<10240xi32, #tpu.memory_space<vmem>> -> memref<128xi32, #tpu.memory_space<vmem>>
      %dma_wait3A_167 = arith.constant 0 : i32
      %dma_wait3A_168 = arith.constant 0 : i32
      %dma_wait3A_169 = tpu.memref_slice %arg13[%dma_wait3A_167, %dma_wait3A_168] : memref<10112x64xf32, #tpu.memory_space<vmem_shared>> -> memref<10112x64xf32, #tpu.memory_space<vmem_shared>>
      tpu.wait_indirect_dma semaphore(%arg12 : memref<!tpu.dma_semaphore, #tpu.memory_space<semaphore_mem>>) src(%dma_wait3A_169 : memref<10112x64xf32, #tpu.memory_space<vmem_shared>>) dst(%arg9 : memref<128x64xf32, #tpu.memory_space<vmem>>)
      %add3A_170 = arith.constant 5 : i32
      %add3A_171 = arith.addi %mul3A_40, %add3A_170 : i32
      "tpu.region"() ({
        %run_scoped3A = tpu.sem_alloc : memref<!tpu.dma_semaphore, #tpu.memory_space<semaphore_mem>>
        %dma_start3A_216 = arith.constant 0 : i32
        %dma_start3A_217 = tpu.memref_slice %arg7[%add3A_171, %dma_start3A_216] : memref<80x128xi32, #tpu.memory_space<vmem>> -> memref<1x128xi32, #tpu.memory_space<vmem>>
        %dma_start3A_218 = tpu.memref_squeeze %dma_start3A_217 : memref<1x128xi32, #tpu.memory_space<vmem>> -> memref<128xi32, #tpu.memory_space<vmem>>
        %dma_start3A_219 = arith.constant 0 : i32
        %dma_start3A_220 = arith.constant 0 : i32
        %dma_start3A_221 = tpu.memref_slice %arg14[%dma_start3A_219, %dma_start3A_220] : memref<10112x64xf32, #tpu.memory_space<vmem_shared>> -> memref<10112x64xf32, #tpu.memory_space<vmem_shared>>
        tpu.enqueue_indirect_dma source(%arg9 : memref<128x64xf32, #tpu.memory_space<vmem>>) target(%dma_start3A_221 : memref<10112x64xf32, #tpu.memory_space<vmem_shared>>) offsets(%dma_start3A_218 : memref<128xi32, #tpu.memory_space<vmem>>) semaphore(%run_scoped3A : memref<!tpu.dma_semaphore, #tpu.memory_space<semaphore_mem>>) {add = true}
        %dma_wait3A_222 = arith.constant 0 : i32
        %dma_wait3A_223 = tpu.memref_slice %arg7[%add3A_171, %dma_wait3A_222] : memref<80x128xi32, #tpu.memory_space<vmem>> -> memref<1x128xi32, #tpu.memory_space<vmem>>
        %dma_wait3A_224 = tpu.memref_squeeze %dma_wait3A_223 : memref<1x128xi32, #tpu.memory_space<vmem>> -> memref<128xi32, #tpu.memory_space<vmem>>
        %dma_wait3A_225 = arith.constant 0 : i32
        %dma_wait3A_226 = arith.constant 0 : i32
        %dma_wait3A_227 = tpu.memref_slice %arg14[%dma_wait3A_225, %dma_wait3A_226] : memref<10112x64xf32, #tpu.memory_space<vmem_shared>> -> memref<10112x64xf32, #tpu.memory_space<vmem_shared>>
        tpu.wait_indirect_dma semaphore(%run_scoped3A : memref<!tpu.dma_semaphore, #tpu.memory_space<semaphore_mem>>) src(%arg9 : memref<128x64xf32, #tpu.memory_space<vmem>>) dst(%dma_wait3A_227 : memref<10112x64xf32, #tpu.memory_space<vmem_shared>>)
        tpu.yield
      }) : () -> ()
      %add3A_172 = arith.constant 6 : i32
      %add3A_173 = arith.addi %mul3A_40, %add3A_172 : i32
      %add3A_174 = arith.constant 1 : i32
      %add3A_175 = arith.addi %add3A_173, %add3A_174 : i32
      %min3A_176 = arith.constant 79 : i32
      %min3A_177 = arith.minsi %add3A_175, %min3A_176 : i32
      %mul3A_178 = arith.constant 128 : i32
      %mul3A_179 = arith.muli %min3A_177, %mul3A_178 : i32
      %dma_start3A_180 = tpu.memref_slice %arg6[%mul3A_179] : memref<10240xi32, #tpu.memory_space<vmem>> -> memref<128xi32, #tpu.memory_space<vmem>>
      %dma_start3A_181 = arith.constant 0 : i32
      %dma_start3A_182 = arith.constant 0 : i32
      %dma_start3A_183 = tpu.memref_slice %arg13[%dma_start3A_181, %dma_start3A_182] : memref<10112x64xf32, #tpu.memory_space<vmem_shared>> -> memref<10112x64xf32, #tpu.memory_space<vmem_shared>>
      tpu.enqueue_indirect_dma source(%dma_start3A_183 : memref<10112x64xf32, #tpu.memory_space<vmem_shared>>) target(%arg9 : memref<128x64xf32, #tpu.memory_space<vmem>>) offsets(%dma_start3A_180 : memref<128xi32, #tpu.memory_space<vmem>>) semaphore(%arg12 : memref<!tpu.dma_semaphore, #tpu.memory_space<semaphore_mem>>)
      %add3A_184 = arith.constant 6 : i32
      %add3A_185 = arith.addi %mul3A_40, %add3A_184 : i32
      %mul3A_186 = arith.constant 128 : i32
      %mul3A_187 = arith.muli %add3A_185, %mul3A_186 : i32
      %dma_wait3A_188 = tpu.memref_slice %arg6[%mul3A_187] : memref<10240xi32, #tpu.memory_space<vmem>> -> memref<128xi32, #tpu.memory_space<vmem>>
      %dma_wait3A_189 = arith.constant 0 : i32
      %dma_wait3A_190 = arith.constant 0 : i32
      %dma_wait3A_191 = tpu.memref_slice %arg13[%dma_wait3A_189, %dma_wait3A_190] : memref<10112x64xf32, #tpu.memory_space<vmem_shared>> -> memref<10112x64xf32, #tpu.memory_space<vmem_shared>>
      tpu.wait_indirect_dma semaphore(%arg11 : memref<!tpu.dma_semaphore, #tpu.memory_space<semaphore_mem>>) src(%dma_wait3A_191 : memref<10112x64xf32, #tpu.memory_space<vmem_shared>>) dst(%arg8 : memref<128x64xf32, #tpu.memory_space<vmem>>)
      %add3A_192 = arith.constant 6 : i32
      %add3A_193 = arith.addi %mul3A_40, %add3A_192 : i32
      "tpu.region"() ({
        %run_scoped3A = tpu.sem_alloc : memref<!tpu.dma_semaphore, #tpu.memory_space<semaphore_mem>>
        %dma_start3A_216 = arith.constant 0 : i32
        %dma_start3A_217 = tpu.memref_slice %arg7[%add3A_193, %dma_start3A_216] : memref<80x128xi32, #tpu.memory_space<vmem>> -> memref<1x128xi32, #tpu.memory_space<vmem>>
        %dma_start3A_218 = tpu.memref_squeeze %dma_start3A_217 : memref<1x128xi32, #tpu.memory_space<vmem>> -> memref<128xi32, #tpu.memory_space<vmem>>
        %dma_start3A_219 = arith.constant 0 : i32
        %dma_start3A_220 = arith.constant 0 : i32
        %dma_start3A_221 = tpu.memref_slice %arg14[%dma_start3A_219, %dma_start3A_220] : memref<10112x64xf32, #tpu.memory_space<vmem_shared>> -> memref<10112x64xf32, #tpu.memory_space<vmem_shared>>
        tpu.enqueue_indirect_dma source(%arg8 : memref<128x64xf32, #tpu.memory_space<vmem>>) target(%dma_start3A_221 : memref<10112x64xf32, #tpu.memory_space<vmem_shared>>) offsets(%dma_start3A_218 : memref<128xi32, #tpu.memory_space<vmem>>) semaphore(%run_scoped3A : memref<!tpu.dma_semaphore, #tpu.memory_space<semaphore_mem>>) {add = true}
        %dma_wait3A_222 = arith.constant 0 : i32
        %dma_wait3A_223 = tpu.memref_slice %arg7[%add3A_193, %dma_wait3A_222] : memref<80x128xi32, #tpu.memory_space<vmem>> -> memref<1x128xi32, #tpu.memory_space<vmem>>
        %dma_wait3A_224 = tpu.memref_squeeze %dma_wait3A_223 : memref<1x128xi32, #tpu.memory_space<vmem>> -> memref<128xi32, #tpu.memory_space<vmem>>
        %dma_wait3A_225 = arith.constant 0 : i32
        %dma_wait3A_226 = arith.constant 0 : i32
        %dma_wait3A_227 = tpu.memref_slice %arg14[%dma_wait3A_225, %dma_wait3A_226] : memref<10112x64xf32, #tpu.memory_space<vmem_shared>> -> memref<10112x64xf32, #tpu.memory_space<vmem_shared>>
        tpu.wait_indirect_dma semaphore(%run_scoped3A : memref<!tpu.dma_semaphore, #tpu.memory_space<semaphore_mem>>) src(%arg8 : memref<128x64xf32, #tpu.memory_space<vmem>>) dst(%dma_wait3A_227 : memref<10112x64xf32, #tpu.memory_space<vmem_shared>>)
        tpu.yield
      }) : () -> ()
      %add3A_194 = arith.constant 7 : i32
      %add3A_195 = arith.addi %mul3A_40, %add3A_194 : i32
      %add3A_196 = arith.constant 1 : i32
      %add3A_197 = arith.addi %add3A_195, %add3A_196 : i32
      %min3A_198 = arith.constant 79 : i32
      %min3A_199 = arith.minsi %add3A_197, %min3A_198 : i32
      %mul3A_200 = arith.constant 128 : i32
      %mul3A_201 = arith.muli %min3A_199, %mul3A_200 : i32
      %dma_start3A_202 = tpu.memref_slice %arg6[%mul3A_201] : memref<10240xi32, #tpu.memory_space<vmem>> -> memref<128xi32, #tpu.memory_space<vmem>>
      %dma_start3A_203 = arith.constant 0 : i32
      %dma_start3A_204 = arith.constant 0 : i32
      %dma_start3A_205 = tpu.memref_slice %arg13[%dma_start3A_203, %dma_start3A_204] : memref<10112x64xf32, #tpu.memory_space<vmem_shared>> -> memref<10112x64xf32, #tpu.memory_space<vmem_shared>>
      tpu.enqueue_indirect_dma source(%dma_start3A_205 : memref<10112x64xf32, #tpu.memory_space<vmem_shared>>) target(%arg8 : memref<128x64xf32, #tpu.memory_space<vmem>>) offsets(%dma_start3A_202 : memref<128xi32, #tpu.memory_space<vmem>>) semaphore(%arg11 : memref<!tpu.dma_semaphore, #tpu.memory_space<semaphore_mem>>)
      %add3A_206 = arith.constant 7 : i32
      %add3A_207 = arith.addi %mul3A_40, %add3A_206 : i32
      %mul3A_208 = arith.constant 128 : i32
      %mul3A_209 = arith.muli %add3A_207, %mul3A_208 : i32
      %dma_wait3A_210 = tpu.memref_slice %arg6[%mul3A_209] : memref<10240xi32, #tpu.memory_space<vmem>> -> memref<128xi32, #tpu.memory_space<vmem>>
      %dma_wait3A_211 = arith.constant 0 : i32
      %dma_wait3A_212 = arith.constant 0 : i32
      %dma_wait3A_213 = tpu.memref_slice %arg13[%dma_wait3A_211, %dma_wait3A_212] : memref<10112x64xf32, #tpu.memory_space<vmem_shared>> -> memref<10112x64xf32, #tpu.memory_space<vmem_shared>>
      tpu.wait_indirect_dma semaphore(%arg12 : memref<!tpu.dma_semaphore, #tpu.memory_space<semaphore_mem>>) src(%dma_wait3A_213 : memref<10112x64xf32, #tpu.memory_space<vmem_shared>>) dst(%arg9 : memref<128x64xf32, #tpu.memory_space<vmem>>)
      %add3A_214 = arith.constant 7 : i32
      %add3A_215 = arith.addi %mul3A_40, %add3A_214 : i32
      "tpu.region"() ({
        %run_scoped3A = tpu.sem_alloc : memref<!tpu.dma_semaphore, #tpu.memory_space<semaphore_mem>>
        %dma_start3A_216 = arith.constant 0 : i32
        %dma_start3A_217 = tpu.memref_slice %arg7[%add3A_215, %dma_start3A_216] : memref<80x128xi32, #tpu.memory_space<vmem>> -> memref<1x128xi32, #tpu.memory_space<vmem>>
        %dma_start3A_218 = tpu.memref_squeeze %dma_start3A_217 : memref<1x128xi32, #tpu.memory_space<vmem>> -> memref<128xi32, #tpu.memory_space<vmem>>
        %dma_start3A_219 = arith.constant 0 : i32
        %dma_start3A_220 = arith.constant 0 : i32
        %dma_start3A_221 = tpu.memref_slice %arg14[%dma_start3A_219, %dma_start3A_220] : memref<10112x64xf32, #tpu.memory_space<vmem_shared>> -> memref<10112x64xf32, #tpu.memory_space<vmem_shared>>
        tpu.enqueue_indirect_dma source(%arg9 : memref<128x64xf32, #tpu.memory_space<vmem>>) target(%dma_start3A_221 : memref<10112x64xf32, #tpu.memory_space<vmem_shared>>) offsets(%dma_start3A_218 : memref<128xi32, #tpu.memory_space<vmem>>) semaphore(%run_scoped3A : memref<!tpu.dma_semaphore, #tpu.memory_space<semaphore_mem>>) {add = true}
        %dma_wait3A_222 = arith.constant 0 : i32
        %dma_wait3A_223 = tpu.memref_slice %arg7[%add3A_215, %dma_wait3A_222] : memref<80x128xi32, #tpu.memory_space<vmem>> -> memref<1x128xi32, #tpu.memory_space<vmem>>
        %dma_wait3A_224 = tpu.memref_squeeze %dma_wait3A_223 : memref<1x128xi32, #tpu.memory_space<vmem>> -> memref<128xi32, #tpu.memory_space<vmem>>
        %dma_wait3A_225 = arith.constant 0 : i32
        %dma_wait3A_226 = arith.constant 0 : i32
        %dma_wait3A_227 = tpu.memref_slice %arg14[%dma_wait3A_225, %dma_wait3A_226] : memref<10112x64xf32, #tpu.memory_space<vmem_shared>> -> memref<10112x64xf32, #tpu.memory_space<vmem_shared>>
        tpu.wait_indirect_dma semaphore(%run_scoped3A : memref<!tpu.dma_semaphore, #tpu.memory_space<semaphore_mem>>) src(%arg9 : memref<128x64xf32, #tpu.memory_space<vmem>>) dst(%dma_wait3A_227 : memref<10112x64xf32, #tpu.memory_space<vmem_shared>>)
        tpu.yield
      }) : () -> ()
    }
    %scan3A_32 = arith.constant 10 : i32
    %dma_wait3A = arith.constant 10112 : i32
    %dma_wait3A_33 = tpu.memref_slice %arg6[%dma_wait3A] : memref<10240xi32, #tpu.memory_space<vmem>> -> memref<128xi32, #tpu.memory_space<vmem>>
    %dma_wait3A_34 = arith.constant 0 : i32
    %dma_wait3A_35 = arith.constant 0 : i32
    %dma_wait3A_36 = tpu.memref_slice %arg13[%dma_wait3A_34, %dma_wait3A_35] : memref<10112x64xf32, #tpu.memory_space<vmem_shared>> -> memref<10112x64xf32, #tpu.memory_space<vmem_shared>>
    tpu.wait_indirect_dma semaphore(%arg11 : memref<!tpu.dma_semaphore, #tpu.memory_space<semaphore_mem>>) src(%dma_wait3A_36 : memref<10112x64xf32, #tpu.memory_space<vmem_shared>>) dst(%arg8 : memref<128x64xf32, #tpu.memory_space<vmem>>)
    %barrier3A_37 = arith.constant 0 : index
    tpu.barrier barrier_id(%barrier3A_37)
    "tpu.region"() ({
      %run_scoped3A = tpu.sem_alloc : memref<!tpu.dma_semaphore, #tpu.memory_space<semaphore_mem>>
      %dma_start3A_38 = arith.constant 0 : i32
      %dma_start3A_39 = tpu.memref_slice %arg5[%arg0, %mul3A_2, %dma_start3A_38] : memref<2x10112x64xf32, #tpu.memory_space<hbm>> -> memref<1x632x64xf32, #tpu.memory_space<hbm>>
      %dma_start3A_40 = tpu.memref_squeeze %dma_start3A_39 : memref<1x632x64xf32, #tpu.memory_space<hbm>> -> memref<632x64xf32, #tpu.memory_space<hbm>>
      %dma_start3A_41 = arith.constant 0 : i32
      %dma_start3A_42 = tpu.memref_slice %arg14[%mul3A_2, %dma_start3A_41] : memref<10112x64xf32, #tpu.memory_space<vmem_shared>> -> memref<632x64xf32, #tpu.memory_space<vmem_shared>>
      tpu.enqueue_dma source(%dma_start3A_42 : memref<632x64xf32, #tpu.memory_space<vmem_shared>>) target(%dma_start3A_40 : memref<632x64xf32, #tpu.memory_space<hbm>>) target_semaphore(%run_scoped3A : memref<!tpu.dma_semaphore, #tpu.memory_space<semaphore_mem>>)
      %dma_wait3A_43 = arith.constant 0 : i32
      %dma_wait3A_44 = tpu.memref_slice %arg5[%arg0, %mul3A_2, %dma_wait3A_43] : memref<2x10112x64xf32, #tpu.memory_space<hbm>> -> memref<1x632x64xf32, #tpu.memory_space<hbm>>
      %dma_wait3A_45 = tpu.memref_squeeze %dma_wait3A_44 : memref<1x632x64xf32, #tpu.memory_space<hbm>> -> memref<632x64xf32, #tpu.memory_space<hbm>>
      %dma_wait3A_46 = arith.constant 0 : i32
      %dma_wait3A_47 = tpu.memref_slice %arg14[%mul3A_2, %dma_wait3A_46] : memref<10112x64xf32, #tpu.memory_space<vmem_shared>> -> memref<632x64xf32, #tpu.memory_space<vmem_shared>>
      tpu.wait_dma2 semaphore(%run_scoped3A : memref<!tpu.dma_semaphore, #tpu.memory_space<semaphore_mem>>) src(%dma_wait3A_47 : memref<632x64xf32, #tpu.memory_space<vmem_shared>>) dst(%dma_wait3A_45 : memref<632x64xf32, #tpu.memory_space<hbm>>)
      tpu.yield
    }) : () -> ()
    return
  }
}

module attributes {stable_mosaic.version = 14 : i64} {
  func.func @_mm_body(%arg0: memref<10000x128xf32, #tpu.memory_space<vmem>>, %arg1: memref<128x64xf32, #tpu.memory_space<vmem>>, %arg2: memref<10112x64xf32, #tpu.memory_space<vmem>>) attributes {dimension_semantics = [], scalar_prefetch = 0 : i64, scratch_operands = 0 : i64, tpu.core_type = #tpu.core_type<tc>} {
    %get3A = arith.constant 0 : index
    %get3A_0 = arith.constant 0 : index
    %get3A_1 = vector.load %arg0[%get3A, %get3A_0] : memref<10000x128xf32, #tpu.memory_space<vmem>>, vector<10000x128xf32>
    %get3A_2 = arith.constant 0 : index
    %get3A_3 = arith.constant 0 : index
    %get3A_4 = vector.load %arg1[%get3A_2, %get3A_3] : memref<128x64xf32, #tpu.memory_space<vmem>>, vector<128x64xf32>
    %dot_general3A = arith.constant dense<0.000000e+00> : vector<10000x64xf32>
    %dot_general3A_5 = tpu.matmul %get3A_1, %get3A_4, %dot_general3A {dimension_numbers = #tpu.dot_dimension_numbers<[1], [0], [0], [1], [0, 0, 1, 1], [], []>, transpose_lhs_hint = false} : vector<10000x128xf32>, vector<128x64xf32>, vector<10000x64xf32> -> vector<10000x64xf32>
    %swap3A = arith.constant 0 : index
    %swap3A_6 = arith.constant 0 : index
    %swap3A_7 = vector.load %arg2[%swap3A, %swap3A_6] : memref<10112x64xf32, #tpu.memory_space<vmem>>, vector<10000x64xf32>
    tpu.vector_store %arg2[%swap3A, %swap3A_6], %dot_general3A_5 {strides = array<i32>} : memref<10112x64xf32, #tpu.memory_space<vmem>>, vector<10000x64xf32>,
    return
  }
}

module attributes {stable_mosaic.version = 14 : i64} {
  func.func @_comb_body(%arg0: memref<2x10112x64xf32, #tpu.memory_space<vmem>>, %arg1: memref<10112x64xf32, #tpu.memory_space<vmem>>) attributes {dimension_semantics = [], scalar_prefetch = 0 : i64, scratch_operands = 0 : i64, tpu.core_type = #tpu.core_type<tc>} {
    %get3A = arith.constant 0 : index
    %get3A_0 = arith.constant 0 : index
    %get3A_1 = arith.constant 0 : index
    %get3A_2 = vector.load %arg0[%get3A, %get3A_0, %get3A_1] : memref<2x10112x64xf32, #tpu.memory_space<vmem>>, vector<1x10112x64xf32>
    %get3A_3 = vector.shape_cast %get3A_2 : vector<1x10112x64xf32> to vector<10112x64xf32>
    %get3A_4 = arith.constant 1 : index
    %get3A_5 = arith.constant 0 : index
    %get3A_6 = arith.constant 0 : index
    %get3A_7 = vector.load %arg0[%get3A_4, %get3A_5, %get3A_6] : memref<2x10112x64xf32, #tpu.memory_space<vmem>>, vector<1x10112x64xf32>
    %get3A_8 = vector.shape_cast %get3A_7 : vector<1x10112x64xf32> to vector<10112x64xf32>
    %add3A = arith.addf %get3A_3, %get3A_8 : vector<10112x64xf32>
    %swap3A = arith.constant 0 : index
    %swap3A_9 = arith.constant 0 : index
    %swap3A_10 = vector.load %arg1[%swap3A, %swap3A_9] : memref<10112x64xf32, #tpu.memory_space<vmem>>, vector<10112x64xf32>
    tpu.vector_store %arg1[%swap3A, %swap3A_9], %add3A {strides = array<i32>} : memref<10112x64xf32, #tpu.memory_space<vmem>>, vector<10112x64xf32>,
    return
  }
}

module attributes {stable_mosaic.version = 14 : i64} {
  func.func @_comb_bias_body(%arg0: memref<2x10112x64xf32, #tpu.memory_space<vmem>>, %arg1: memref<1x64xf32, #tpu.memory_space<vmem>>, %arg2: memref<10000x64xf32, #tpu.memory_space<vmem>>) attributes {dimension_semantics = [], scalar_prefetch = 0 : i64, scratch_operands = 0 : i64, tpu.core_type = #tpu.core_type<tc>} {
    %get3A = arith.constant 0 : index
    %get3A_0 = arith.constant 0 : index
    %get3A_1 = arith.constant 0 : index
    %get3A_2 = vector.load %arg0[%get3A, %get3A_0, %get3A_1] : memref<2x10112x64xf32, #tpu.memory_space<vmem>>, vector<1x10000x64xf32>
    %get3A_3 = vector.shape_cast %get3A_2 : vector<1x10000x64xf32> to vector<10000x64xf32>
    %get3A_4 = arith.constant 1 : index
    %get3A_5 = arith.constant 0 : index
    %get3A_6 = arith.constant 0 : index
    %get3A_7 = vector.load %arg0[%get3A_4, %get3A_5, %get3A_6] : memref<2x10112x64xf32, #tpu.memory_space<vmem>>, vector<1x10000x64xf32>
    %get3A_8 = vector.shape_cast %get3A_7 : vector<1x10000x64xf32> to vector<10000x64xf32>
    %add3A = arith.addf %get3A_3, %get3A_8 : vector<10000x64xf32>
    %get3A_9 = arith.constant 0 : index
    %get3A_10 = arith.constant 0 : index
    %get3A_11 = vector.load %arg1[%get3A_9, %get3A_10] : memref<1x64xf32, #tpu.memory_space<vmem>>, vector<1x64xf32>
    %add3A_12 = vector.broadcast %get3A_11 : vector<1x64xf32> to vector<10000x64xf32>
    %add3A_13 = arith.addf %add3A, %add3A_12 : vector<10000x64xf32>
    %swap3A = arith.constant 0 : index
    %swap3A_14 = arith.constant 0 : index
    %swap3A_15 = vector.load %arg2[%swap3A, %swap3A_14] : memref<10000x64xf32, #tpu.memory_space<vmem>>, vector<10000x64xf32>
    tpu.vector_store %arg2[%swap3A, %swap3A_14], %add3A_13 {strides = array<i32>} : memref<10000x64xf32, #tpu.memory_space<vmem>>, vector<10000x64xf32>,
    return
  }
}

</mosaic_0001>

<sc_bundles>
// kernel: kernel.10.cloned.1.call-start
scs
__scs_entry_jumppad:
0x0: {  	(pc) =	sbr.rel $0x88, $3  }
0x1: {  	(tag) =	ssettag $0x0;
	lr =	simm.s32 $0x1  }
0x2: {  	[smem:$0x3F9D] =	sst lr;
	_ =	strace $0xD0000000  }
0x3: {  	_ = 	snop  }
0x4: {  	_ = 	snop  }
0x5: {  	_ = 	snop  }
0x6: {  	_ = 	snop  }
0x7: {  	_ = 	snop  }
__scs_overlays_trampoline_lowered:
0x8: {  	[smem:$0x3FAC] =	sst s0  }
0x9: {  	[smem:$0x3FAD] =	sst s1  }
0xa: {  	[smem:$0x3FAE] =	sst s2  }
0xb: {  	[smem:$0x3FAF] =	sst s3  }
0xc: {  	[smem:$0x3FB0] =	sst s4  }
0xd: {  	[smem:$0x3FB1] =	sst s5  }
0xe: {  	[smem:$0x3FB2] =	sst s6  }
0xf: {  	[smem:$0x3FB3] =	sst s7  }
0x10: {  	[smem:$0x3FB4] =	sst s8  }
0x11: {  	[smem:$0x3FB5] =	sst s9;
	s0 =	simm.s32 @!p0 $0x0  }
0x12: {  	s1 =	sld [smem:$0x3F9B];
	s0 =	simm.s32 @p0 $0x1  }
0x13: {  	[smem:$0x3FB6] =	sst s0;
	s0 =	simm.s32 @!p1 $0x0  }
0x14: {  	s2 =	sld [smem:$0x3F9A];
	s0 =	simm.s32 @p1 $0x1  }
0x15: {  	[smem:$0x3FB7] =	sst s0;
	s0 =	simm.s32 @!p2 $0x0  }
0x16: {  	s3 =	sld [smem:$0x3FDB];
	s0 =	simm.s32 @p2 $0x1  }
0x17: {  	s4 =	simm.s32 $0x1BF5;
	[smem:$0x3FB9] =	sst s0  }
0x18: {  	s0 =	sld [smem:$0x3F9C];
	_ =	swait.ge [sflag:s4], $0x0  }
0x19: {  	s7 =	sld [smem:$0x3F9D]  }
0x1a: {  	s8 =	sadd.s32 $0xFFFFE003, lr  }
0x1b: {  	s9 =	sadd.s32 $0xFFFFFEF7, lr;
	s5 =	simm.s32 $0xFFFFFFFF;
	p2 =	slt.u32 s8, $0xFFFFF086  }
0x1c: {  	p1 =	slt.u32 s9, $0xF7A;
	s5 =	simm.s32 @!p2 $0x0  }
0x1d: {  	s5 =	simm.s32 @p1 $0x1;
	p0 =	seq.s32 s7, s2  }
0x1e: {  	s7 =	smul.u32 @!p0 $0xF7A, s2;
	p2 =	seq.s32 @!p0 s5, $0x0  }
0x1f: {  	s9 =	smul.u32 $0xF7A, s1;
	s8 =	simm.s32 @!p0 $0x1BF5;
	p2 =	por !p2, p0  }
0x20: {  	[sflag:s8] =	ssyncset.s32 @!p0 $0xFFFFF086;
	s6 =	sadd.s32 @!p0 s3, s7;
	s7 =	simm.s32 @!p0 $0x108  }
0x21: {  	s3 =	sadd.s32 s3, s9;
	s6 =	sadd.s32 @!p0 $0x88, s6;
	s7 =	simm.s32 @p2 $0x1082  }
0x22: {  	[simem:s7], [sflag:s8] =	dma.local @!p0 [hbm:s6], $0xF7A  }
0x23: {  	s9 =	sor.u32 $0xD0000000, s2;
	s6 =	simm.s32 $0x108;
	_ =	swait.ge @!p0 [sflag:s8], $0x0  }
0x24: {  	s3 =	sadd.s32 $0x88, s3;
	s6 =	simm.s32 @!p1 $0x1082;
	[sflag:s4] =	ssyncset.s32 $0xFFFFF086  }
0x25: {  	[simem:s6], [sflag:s4] =	dma.local [hbm:s3], $0xF7A  }
0x26: {  	[smem:$0x3F9D] =	sst s1;
	(tag) =	ssettag s2;
	_ =	strace s9  }
0x27: {  	s1 =	sld [smem:$0x3FAD]  }
0x28: {  	s2 =	sld [smem:$0x3FAE]  }
0x29: {  	s4 =	sld [smem:$0x3FB0]  }
0x2a: {  	p0 =	seq.s32 s5, $0x0;
	s5 =	sld [smem:$0x3FB1]  }
0x2b: {  	s6 =	sld [smem:$0x3FB2]  }
0x2c: {  	s7 =	sld [smem:$0x3FB3]  }
0x2d: {  	s3 =	simm.s32 $0x108;
	s8 =	sld [smem:$0x3FB4]  }
0x2e: {  	s3 =	simm.s32 @!p0 $0x1082;
	s9 =	sld [smem:$0x3FB5]  }
0x2f: {  	lr =	sadd.s32 s0, s3;
	s0 =	sld [smem:$0x3FAC]  }
0x30: {  	s3 =	sld [smem:$0x3FAF]  }
0x31: {  	[smem:$0x3FB8] =	sst s10  }
0x32: {  	s10 =	sld [smem:$0x3FB6];
	_ =	sdelay $0x3  }
0x33: {  	p0 =	seq.s32 s10, $0x1;
	s10 =	sld [smem:$0x3FB8];
	_ =	sdelay $0x3  }
0x34: {  	[smem:$0x3FB8] =	sst s10  }
0x35: {  	s10 =	sld [smem:$0x3FB7];
	_ =	sdelay $0x3  }
0x36: {  	p1 =	seq.s32 s10, $0x1;
	s10 =	sld [smem:$0x3FB8];
	_ =	sdelay $0x3  }
0x37: {  	[smem:$0x3FB8] =	sst s10  }
0x38: {  	s10 =	sld [smem:$0x3FB9]  }
0x39: {  	_ = 	snop;
	(pc) =	sbr.ind lr, $3  }
0x3a: {  	_ = 	snop  }
0x3b: {  	_ = 	snop  }
0x3c: {  	p2 =	seq.s32 s10, $0x1;
	s10 =	sld [smem:$0x3FB8]  }
0x3d: {  	_ =	shalt  }
0x3e: {  	_ =	shalt  }
0x3f: {  	_ =	shalt  }
0x40: {  	_ =	shalt  }
0x41: {  	_ =	shalt  }
0x42: {  	_ =	shalt  }
0x43: {  	_ =	shalt  }
0x44: {  	_ =	shalt  }
0x45: {  	_ =	shalt  }
0x46: {  	_ =	shalt  }
0x47: {  	_ =	shalt  }
0x48: {  	_ =	shalt  }
0x49: {  	_ =	shalt  }
0x4a: {  	_ =	shalt  }
0x4b: {  	_ =	shalt  }
0x4c: {  	_ =	shalt  }
0x4d: {  	_ =	shalt  }
0x4e: {  	_ =	shalt  }
0x4f: {  	_ =	shalt  }
0x50: {  	_ =	shalt  }
0x51: {  	_ =	shalt  }
0x52: {  	_ =	shalt  }
0x53: {  	_ =	shalt  }
0x54: {  	_ =	shalt  }
0x55: {  	_ =	shalt  }
0x56: {  	_ =	shalt  }
0x57: {  	_ =	shalt  }
0x58: {  	_ =	shalt  }
0x59: {  	_ =	shalt  }
0x5a: {  	_ =	shalt  }
0x5b: {  	_ =	shalt  }
0x5c: {  	_ =	shalt  }
0x5d: {  	_ =	shalt  }
0x5e: {  	_ =	shalt  }
0x5f: {  	_ =	shalt  }
0x60: {  	_ =	shalt  }
0x61: {  	_ =	shalt  }
0x62: {  	_ =	shalt  }
0x63: {  	_ =	shalt  }
0x64: {  	_ =	shalt  }
0x65: {  	_ =	shalt  }
0x66: {  	_ =	shalt  }
0x67: {  	_ =	shalt  }
0x68: {  	_ =	shalt  }
0x69: {  	_ =	shalt  }
0x6a: {  	_ =	shalt  }
0x6b: {  	_ =	shalt  }
0x6c: {  	_ =	shalt  }
0x6d: {  	_ =	shalt  }
0x6e: {  	_ =	shalt  }
0x6f: {  	_ =	shalt  }
0x70: {  	_ =	shalt  }
0x71: {  	_ =	shalt  }
0x72: {  	_ =	shalt  }
0x73: {  	_ =	shalt  }
0x74: {  	_ =	shalt  }
0x75: {  	_ =	shalt  }
0x76: {  	_ =	shalt  }
0x77: {  	_ =	shalt  }
0x78: {  	_ =	shalt  }
0x79: {  	_ =	shalt  }
0x7a: {  	_ =	shalt  }
0x7b: {  	_ =	shalt  }
0x7c: {  	_ =	shalt  }
0x7d: {  	_ =	shalt  }
0x7e: {  	_ =	shalt  }
0x7f: {  	_ =	shalt  }
0x80: {  	_ =	shalt  }
0x81: {  	_ =	shalt  }
0x82: {  	_ =	shalt  }
0x83: {  	_ =	shalt  }
0x84: {  	_ =	shalt  }
0x85: {  	_ =	shalt  }
0x86: {  	_ =	shalt  }
0x87: {  	_ =	shalt  }
.Lfunc_end0:
.L_simem_size_0:
called_computation.1_lowered:
.L_overlay_start_0:
0x88: {  	s2 =	sld [smem:$0x3FD9]  }
0x89: {  	s3 =	sld [smem:$0x3FFE];
	_ =	sdelay $0x1  }
0x8a: {  	s1 =	srdreg.scid  }
0x8b: {  	s0 =	sand.u32 $0x1, s1  }
0x8c: {  	s17 =	sshll.u32 s0, $0xA;
	s2 =	sadd.s32 s3, s2  }
0x8d: {  	s2 =	sadd.s32 s2, s17  }
0x8e: {  	[smem:$0x3FC4] =	sst s2  }
0x8f: {  	_ = 	snop  }
0x90: {  	s2 =	sld [smem:$0x3FD0];
	(tm) =	ssettm $0x1  }
0x91: {  	s18 =	sld [smem:$0x3FFB];
	_ =	sdelay $0x3  }
0x92: {  	_ =	strace s18  }
0x93: {  	s3 =	sld [smem:$0x3FFC];
	_ =	sdelay $0x3  }
0x94: {  	_ =	strace s3  }
0x95: {  	s3 =	sld [smem:$0x3FFD];
	_ =	sdelay $0x3  }
0x96: {  	_ =	strace s3  }
0x97: {  	_ =	strace $0x8FFFFFFF  }
0x98: {  	s19 =	sld [smem:$0x3FDB];
	_ =	sdelay $0x1  }
0x99: {  	s4 =	simm.s32 $_scs_section_size  }
0x9a: {  	s5 =	simm.s32 $_size__tile_overlayer_lowered;
	s6 =	simm.s32 $_tile_overlayer_lowered  }
0x9b: {  	s22 =	simm.s32 $0x1BFF;
	s21 =	sshll.u32 s6, $0x1;
	s3 =	sadd.s32 s4, s19  }
0x9c: {  	s7 =	simm.s32 $0x0;
	s20 =	sshll.u32 s5, $0x1;
	s5 =	sadd.s32 s21, s3  }
0x9d: {  	[timem:s7], [sflag:s22] =	dma.local [hbm:s5], s20  }
0x9e: {  	_ =	swait.ge [sflag:s22], s20  }
0x9f: {  	s4 =	ssub.s32 $0x0, s20;
	[sflag:s22] =	ssyncset.done $0x0  }
0xa0: {  	[sflag:s22] =	ssyncadd.s32 s4;
	_ =	sdelay $0x1  }
0xa1: {  	s23 =	simm.s32 $0x1B8B  }
0xa2: {  	_ =	swait.ge [sflag:s23], $0x1  }
0xa3: {  	[sflag:s23] =	ssyncset.done $0x0  }
0xa4: {  	s25 =	simm.s32 $0x1B8E;
	s24 =	sld [smem:$0x3FFE];
	[sflag:s23] =	ssyncadd.s32 $0xFFFFFFFF  }
0xa5: {  	s26 =	simm.s32 $execute0_lowered;
	[smem:$0x3FD2] =	sst s25  }
0xa6: {  	s5 =	sshll.u32 s26, $0x1;
	_ =	strace $0x80000049;
	[dreg:$0x1] =	wrdreg $0xFFFFFFFF  }
0xa7: {  	s28 =	simm.s32 $_size_execute0_lowered;
	s3 =	sadd.s32 s3, s5;
	[dreg:$0x0] =	wrdreg $0x0  }
0xa8: {  	s5 =	sshll.u32 s28, $0x1;
	[dreg:$0x2] =	wrdreg s3  }
0xa9: {  	[dreg:$0x3] =	wrdreg s5  }
0xaa: {  	[dreg:$0x4] =	wrdreg $0xC0  }
0xab: {  	_ =	task [dreg:s7], $0x5FFFF  }
0xac: {  	[dreg:$0x1] =	wrdreg $0xFFFFFFFF  }
0xad: {  	[dreg:$0x0] =	wrdreg $0x60  }
0xae: {  	[dreg:$0x2] =	wrdreg s2  }
0xaf: {  	[dreg:$0x3] =	wrdreg s24  }
0xb0: {  	[dreg:$0x4] =	wrdreg $0xB0000  }
0xb1: {  	[dreg:$0x5] =	wrdreg $0x14E000  }
0xb2: {  	[dreg:$0x6] =	wrdreg $0x9  }
0xb3: {  	_ =	task.clear_ibuf [dreg:s7], $0x7FFFF;
	_ =	strace $0x90000049  }
0xb4: {  	s29 =	simm.s32 $0x9;
	_ =	strace $0x8000004B  }
0xb5: {  	_ =	swait.ge [sflag:s29], $0x1  }
0xb6: {  	[sflag:s29] =	ssyncadd.s32 $0xFFFFFFFF  }
0xb7: {  	_ =	strace $0x9000004B  }
0xb8: {  	_ =	sfence  }
0xb9: {  	s30 =	sld [smem:$0x0];
	_ =	sdelay $0x2  }
0xba: {  	s31 =	sshll.u32 s1, $0xD;
	s1 =	sshrl.u32 s1, $0x2  }
0xbb: {  	s3 =	sand.u32 $0x4000, s31;
	s1 =	sadd.s32 s1, s30  }
0xbc: {  	s0 =	sor.u32 s3, s0;
	s1 =	sshll.u32 s1, $0x11  }
0xbd: {  	s0 =	sor.u32 s1, s0  }
0xbe: {  	s0 =	sadd.s32 $0x8F2B, s0  }
0xbf: {  	[sflag:s0] =	ssyncadd.remote.s32 $0x1  }
0xc0: {  	_ =	sfence.sel $0xFFFF  }
0xc1: {  	[dreg:$0x0] =	wrdreg $0xFFFFFFFF;
	(pc) =	sbr.abs _section_cstart, $3  }
0xc2: {  	[dreg:$0x1] =	wrdreg $0xFFFFFFFF  }
0xc3: {  	_ =	task.clear_ibuf [dreg:s7], $0x2FFFF;
	_ =	strace $0x9FFFFFFF  }
0xc4: {  	(tm) =	ssettm $0x7FFFFFFF  }
0xc5: {  	_ =	shalt  }
tec
execute0_lowered:
.L_overlay_start_1:
0x0: {  	(tag) =	ssettag $0x1  }
0x1: {  	s5 =	rddreg [dreg:$0x0]  }
0x2: {  	s6 =	rddreg [dreg:$0x1]  }
0x3: {  	s1 =	srdreg.scid;
	s2 =	rddreg [dreg:$0x2]  }
0x4: {  	s0 =	stileid.u32;
	s3 =	rddreg [dreg:$0x3];
	s4 =	simm.s32 $0x0  }
0x5: {  	s17 =	simm.s32 $0x3;
	s18 =	simm.s32 $0x9000;
	s19 =	simm.s32 $0x2800  }
0x6: {  	s20 =	simm.s32 $0x80;
	s21 =	simm.s32 $0x5000;
	s22 =	simm.s32 $0x7000  }
0x7: {  	s23 =	simm.s32 $0x1;
	s24 =	simm.s32 $0x2;
	s9 =	smul.u32 $0x9E00, s0  }
0x8: {  	s7 =	sand.u32 $0x1, s1;
	s25 =	sshll.u32 s0, $0x1;
	s11 =	smul.u32 $0x27800, s0  }
0x9: {  	[smem:$0x7FF] =	sst s4;
	s1 =	sor.u32 s7, s25;
	s10 =	smul.u32 $0x9E000, s7  }
0xa: {  	s30 =	sshll.u32 s0, $0x6;
	s7 =	ssub.s32 $0x2, s7;
	s8 =	smul.u32 $0x500, s1  }
0xb: {  	s1 =	rddreg [dreg:$0x4];
	_ =	strace $0x8000004A;
	s28 =	sshrl.u32 s7, $0x1  }
0xc: {  	s16 =	sadd.s32 s9, s2;
	s29 =	sshrl.u32 s9, $0x3;
	s31 =	sshrl.u32 s11, $0x2  }
0xd: {  	s26 =	sadd.s32 s9, s10;
	s15 =	ssub.s32 s7, s28;
	s5 =	sadd.s32 s5, s29  }
0xe: {  	s11 =	sadd.s32 s31, s3;
	s7 =	sadd.s32 s9, s3;
	s16 =	sshrl.u32 s16, $0x3  }
0xf: {  	s13 =	sadd.s32 s8, s6;
	s8 =	sshrl.u32 s26, $0x3;
	s9 =	sadd.s32 $0x4000, s11  }
0x10: {  	s10 =	sadd.s32 $0x6000, s11;
	s15 =	smax.u32 s15, $0x1;
	s14 =	sadd.s32 s8, s6  }
0x11: {  	s6 =	sor.u32 $0x1C03, s30;
	s8 =	sadd.s32 $0x2000, s11;
	s11 =	sadd.s32 $0x8000, s11  }
0x12: {  	v0 =	vimm.f32 $0.0e+00;
	s12 =	sadd.s32 $0xA600, s13;
	s13 =	sadd.s32 $0x600, s13;
	s14 =	sadd.s32 $0x14600, s14  }
.LBB2_1:
0x13: {  	[spmem:s16], [sflag:s6] =	dma.local [hbm:s5], $0x13C0  }
0x14: {  	_ =	swait.ge [sflag:s17], $0x13C0  }
0x15: {  	[sflag:s17] =	ssyncset.done $0x0  }
0x16: {  	s26 =	simm.s32 $0x100;
	s25 =	simm.s32 $0x0;
	[sflag:s17] =	ssyncadd.s32 $0xFFFFEC40  }
.LBB2_2:
0x17: {  	p0 =	sne.s32 s26, $0x7F00;
	[tilespmem:s25+$0x9030] =	vst v0;
	s28 =	smov.u32 s26;
	s26 =	sadd.s32 $0x100, s26  }
.Ltmp0:
0x18: {  	[tilespmem:s25+$0x9020] =	vst v0;
	(pc) =	sbr.rel @p0 .LBB2_2-.Ltmp0, $3  }
0x19: {  	[tilespmem:s25+$0x9000] =	vst v0  }
0x1a: {  	[tilespmem:s25+$0x9010] =	vst v0;
	_ =	sdelay $0x1  }
0x1b: {  	s25 =	sshra.s32 s28, $0x2  }
0x1c: {  	[tilespmem:s25+$0x9030] =	vst v0  }
0x1d: {  	[tilespmem:s25+$0x9020] =	vst v0  }
0x1e: {  	[tilespmem:s25+$0x9000] =	vst v0  }
0x1f: {  	[tilespmem:s25+$0x9010] =	vst v0  }
0x20: {  	[spmem:s7] =	stream.linear.scatter [tilespmem:s18], [sflag:$0x3], $0x2000, $0x38;
	[tilespmem:$0x1EC00] =	vst v63  }
0x21: {  	_ =	swait.ge [sflag:s17], $0x2000  }
0x22: {  	[sflag:s17] =	ssyncset.done $0x0  }
0x23: {  	[sflag:s17] =	ssyncadd.s32 $0xFFFFE000  }
0x24: {  	[spmem:s8] =	stream.linear.scatter [tilespmem:s18], [sflag:$0x3], $0x2000, $0x38;
	[tilespmem:$0x1EC00] =	vst v63  }
0x25: {  	_ =	swait.ge [sflag:s17], $0x2000  }
0x26: {  	[sflag:s17] =	ssyncset.done $0x0  }
0x27: {  	[sflag:s17] =	ssyncadd.s32 $0xFFFFE000  }
0x28: {  	[spmem:s9] =	stream.linear.scatter [tilespmem:s18], [sflag:$0x3], $0x2000, $0x38;
	[tilespmem:$0x1EC00] =	vst v63  }
0x29: {  	_ =	swait.ge [sflag:s17], $0x2000  }
0x2a: {  	[sflag:s17] =	ssyncset.done $0x0  }
0x2b: {  	[sflag:s17] =	ssyncadd.s32 $0xFFFFE000  }
0x2c: {  	[spmem:s10] =	stream.linear.scatter [tilespmem:s18], [sflag:$0x3], $0x2000, $0x38;
	[tilespmem:$0x1EC00] =	vst v63  }
0x2d: {  	_ =	swait.ge [sflag:s17], $0x2000  }
0x2e: {  	[sflag:s17] =	ssyncset.done $0x0  }
0x2f: {  	[sflag:s17] =	ssyncadd.s32 $0xFFFFE000  }
0x30: {  	[spmem:s11] =	stream.linear.scatter [tilespmem:s18], [sflag:$0x3], $0x1E00, $0x38;
	[tilespmem:$0x1EC00] =	vst v63  }
0x31: {  	_ =	swait.ge [sflag:s17], $0x1E00  }
0x32: {  	[sflag:s17] =	ssyncset.done $0x0  }
0x33: {  	s25 =	simm.s32 $0x0;
	[sflag:s17] =	ssyncadd.s32 $0xFFFFE200  }
0x34: {  	[tilespmem:s25], [sflag:$0x3] =	stream.linear.gather [hbm4b:s12+s25], $0x2800, $0x38;
	[tilespmem:$0x1EC00] =	vst v63  }
0x35: {  	_ =	swait.ge [sflag:s17], $0x2800  }
0x36: {  	[sflag:s17] =	ssyncset.done $0x0  }
0x37: {  	[sflag:s17] =	ssyncadd.s32 $0xFFFFD800  }
0x38: {  	[tilespmem:s19], [sflag:$0x3] =	stream.linear.gather [hbm4b:s13+s25], $0x2800, $0x38;
	[tilespmem:$0x1EC00] =	vst v63  }
0x39: {  	_ =	swait.ge [sflag:s17], $0x2800  }
0x3a: {  	[sflag:s17] =	ssyncset.done $0x0  }
0x3b: {  	[sflag:s17] =	ssyncadd.s32 $0xFFFFD800  }
0x3c: {  	[bflag:$0x0] =	sbarrier.arrive $0xFFFF  }
0x3d: {  	[tilespmem:s21], [sflag:$0x1] =	stream.indirect.gather [spmem:s2], $0x40, s25, s20, $0xb8;
	[tilespmem:$0x1EC00] =	vst v63  }
0x3e: {  	s26 =	simm.s32 $0x80  }
0x3f: {  	[tilespmem:s22], [sflag:$0x2] =	stream.indirect.gather [spmem:s2], $0x40, s26, s20, $0xb8;
	[tilespmem:$0x1EC00] =	vst v63  }
0x40: {  	_ =	swait.ge [sflag:s23], $0x2000  }
0x41: {  	[sflag:s23] =	ssyncset.done $0x0  }
0x42: {  	s29 =	simm.s32 $0x2800;
	[sflag:s23] =	ssyncadd.s32 $0xFFFFE000  }
0x43: {  	[spmem:s3] =	stream.indirect.scatter.add.f32 [tilespmem:s21], [sflag:$0x3], $0x40, s29, s20, $0xb8;
	[tilespmem:$0x1EC00] =	vst v63  }
0x44: {  	_ =	swait.ge [sflag:s17], $0x2000  }
0x45: {  	[sflag:s17] =	ssyncset.done $0x0  }
0x46: {  	s31 =	simm.s32 $0x100;
	[sflag:s17] =	ssyncadd.s32 $0xFFFFE000  }
0x47: {  	[tilespmem:s21], [sflag:$0x1] =	stream.indirect.gather [spmem:s2], $0x40, s31, s20, $0xb8;
	[tilespmem:$0x1EC00] =	vst v63  }
0x48: {  	_ =	swait.ge [sflag:s24], $0x2000  }
0x49: {  	[sflag:s24] =	ssyncset.done $0x0  }
0x4a: {  	s28 =	simm.s32 $0x2880;
	[sflag:s24] =	ssyncadd.s32 $0xFFFFE000  }
0x4b: {  	[spmem:s3] =	stream.indirect.scatter.add.f32 [tilespmem:s22], [sflag:$0x3], $0x40, s28, s20, $0xb8;
	[tilespmem:$0x1EC00] =	vst v63  }
0x4c: {  	_ =	swait.ge [sflag:s17], $0x2000  }
0x4d: {  	[sflag:s17] =	ssyncset.done $0x0  }
0x4e: {  	s29 =	simm.s32 $0x180;
	[sflag:s17] =	ssyncadd.s32 $0xFFFFE000  }
0x4f: {  	[tilespmem:s22], [sflag:$0x2] =	stream.indirect.gather [spmem:s2], $0x40, s29, s20, $0xb8;
	[tilespmem:$0x1EC00] =	vst v63  }
0x50: {  	_ =	swait.ge [sflag:s23], $0x2000  }
0x51: {  	[sflag:s23] =	ssyncset.done $0x0  }
0x52: {  	s31 =	simm.s32 $0x2900;
	[sflag:s23] =	ssyncadd.s32 $0xFFFFE000  }
0x53: {  	[spmem:s3] =	stream.indirect.scatter.add.f32 [tilespmem:s21], [sflag:$0x3], $0x40, s31, s20, $0xb8;
	[tilespmem:$0x1EC00] =	vst v63  }
0x54: {  	_ =	swait.ge [sflag:s17], $0x2000  }
0x55: {  	[sflag:s17] =	ssyncset.done $0x0  }
0x56: {  	s28 =	simm.s32 $0x200;
	[sflag:s17] =	ssyncadd.s32 $0xFFFFE000  }
0x57: {  	[tilespmem:s21], [sflag:$0x1] =	stream.indirect.gather [spmem:s2], $0x40, s28, s20, $0xb8;
	[tilespmem:$0x1EC00] =	vst v63  }
0x58: {  	_ =	swait.ge [sflag:s24], $0x2000  }
0x59: {  	[sflag:s24] =	ssyncset.done $0x0  }
0x5a: {  	s29 =	simm.s32 $0x2980;
	[sflag:s24] =	ssyncadd.s32 $0xFFFFE000  }
0x5b: {  	[spmem:s3] =	stream.indirect.scatter.add.f32 [tilespmem:s22], [sflag:$0x3], $0x40, s29, s20, $0xb8;
	[tilespmem:$0x1EC00] =	vst v63  }
0x5c: {  	_ =	swait.ge [sflag:s17], $0x2000  }
0x5d: {  	[sflag:s17] =	ssyncset.done $0x0  }
0x5e: {  	s31 =	simm.s32 $0x280;
	[sflag:s17] =	ssyncadd.s32 $0xFFFFE000  }
0x5f: {  	[tilespmem:s22], [sflag:$0x2] =	stream.indirect.gather [spmem:s2], $0x40, s31, s20, $0xb8;
	[tilespmem:$0x1EC00] =	vst v63  }
0x60: {  	_ =	swait.ge [sflag:s23], $0x2000  }
0x61: {  	[sflag:s23] =	ssyncset.done $0x0  }
0x62: {  	s28 =	simm.s32 $0x2A00;
	[sflag:s23] =	ssyncadd.s32 $0xFFFFE000  }
0x63: {  	[spmem:s3] =	stream.indirect.scatter.add.f32 [tilespmem:s21], [sflag:$0x3], $0x40, s28, s20, $0xb8;
	[tilespmem:$0x1EC00] =	vst v63  }
0x64: {  	_ =	swait.ge [sflag:s17], $0x2000  }
0x65: {  	[sflag:s17] =	ssyncset.done $0x0  }
0x66: {  	s29 =	simm.s32 $0x300;
	[sflag:s17] =	ssyncadd.s32 $0xFFFFE000  }
0x67: {  	[tilespmem:s21], [sflag:$0x1] =	stream.indirect.gather [spmem:s2], $0x40, s29, s20, $0xb8;
	[tilespmem:$0x1EC00] =	vst v63  }
0x68: {  	_ =	swait.ge [sflag:s24], $0x2000  }
0x69: {  	[sflag:s24] =	ssyncset.done $0x0  }
0x6a: {  	s31 =	simm.s32 $0x2A80;
	[sflag:s24] =	ssyncadd.s32 $0xFFFFE000  }
0x6b: {  	[spmem:s3] =	stream.indirect.scatter.add.f32 [tilespmem:s22], [sflag:$0x3], $0x40, s31, s20, $0xb8;
	[tilespmem:$0x1EC00] =	vst v63  }
0x6c: {  	_ =	swait.ge [sflag:s17], $0x2000  }
0x6d: {  	[sflag:s17] =	ssyncset.done $0x0  }
0x6e: {  	s28 =	simm.s32 $0x380;
	[sflag:s17] =	ssyncadd.s32 $0xFFFFE000  }
0x6f: {  	[tilespmem:s22], [sflag:$0x2] =	stream.indirect.gather [spmem:s2], $0x40, s28, s20, $0xb8;
	[tilespmem:$0x1EC00] =	vst v63  }
0x70: {  	_ =	swait.ge [sflag:s23], $0x2000  }
0x71: {  	[sflag:s23] =	ssyncset.done $0x0  }
0x72: {  	s29 =	simm.s32 $0x2B00;
	[sflag:s23] =	ssyncadd.s32 $0xFFFFE000  }
0x73: {  	[spmem:s3] =	stream.indirect.scatter.add.f32 [tilespmem:s21], [sflag:$0x3], $0x40, s29, s20, $0xb8;
	[tilespmem:$0x1EC00] =	vst v63  }
0x74: {  	s25 =	smin.u32 s25, $0x47;
	_ =	swait.ge [sflag:s17], $0x2000  }
0x75: {  	s25 =	sshll.u32 s25, $0x7;
	[sflag:s17] =	ssyncset.done $0x0  }
0x76: {  	s25 =	sadd.s32 $0x400, s25;
	[sflag:s17] =	ssyncadd.s32 $0xFFFFE000  }
0x77: {  	[tilespmem:s21], [sflag:$0x1] =	stream.indirect.gather [spmem:s2], $0x40, s25, s20, $0xb8;
	[tilespmem:$0x1EC00] =	vst v63  }
0x78: {  	_ =	swait.ge [sflag:s24], $0x2000  }
0x79: {  	[sflag:s24] =	ssyncset.done $0x0  }
0x7a: {  	s31 =	simm.s32 $0x2B80;
	[sflag:s24] =	ssyncadd.s32 $0xFFFFE000  }
0x7b: {  	[spmem:s3] =	stream.indirect.scatter.add.f32 [tilespmem:s22], [sflag:$0x3], $0x40, s31, s20, $0xb8;
	[tilespmem:$0x1EC00] =	vst v63  }
0x7c: {  	s30 =	simm.s32 $0x2000;
	_ =	swait.ge [sflag:s17], $0x2000  }
0x7d: {  	s26 =	simm.s32 $0x8;
	s25 =	simm.s32 $0x400;
	[sflag:s17] =	ssyncset.done $0x0  }
.LBB2_4:
0x7e: {  	s31 =	sadd.s32 $0x80, s25  }
0x7f: {  	[sflag:s17] =	ssyncadd.s32 $0xFFFFE000;
	s29 =	smov.u32 s30;
	s28 =	sadd.s32 $0x1000, s30  }
0x80: {  	[tilespmem:s22], [sflag:$0x2] =	stream.indirect.gather [spmem:s2], $0x40, s31, s20, $0xb8;
	[tilespmem:$0x1EC00] =	vst v63  }
0x81: {  	p0 =	sne.s32 s30, $0x9000;
	_ =	swait.ge [sflag:s23], $0x2000  }
0x82: {  	[sflag:s23] =	ssyncset.done $0x0  }
0x83: {  	s30 =	sadd.s32 $0x2800, s25;
	[sflag:s23] =	ssyncadd.s32 $0xFFFFE000  }
0x84: {  	[spmem:s3] =	stream.indirect.scatter.add.f32 [tilespmem:s21], [sflag:$0x3], $0x40, s30, s20, $0xb8;
	[tilespmem:$0x1EC00] =	vst v63  }
0x85: {  	_ =	swait.ge [sflag:s17], $0x2000  }
0x86: {  	[sflag:s17] =	ssyncset.done $0x0  }
0x87: {  	s30 =	sadd.s32 $0x100, s25;
	[sflag:s17] =	ssyncadd.s32 $0xFFFFE000  }
0x88: {  	[tilespmem:s21], [sflag:$0x1] =	stream.indirect.gather [spmem:s2], $0x40, s30, s20, $0xb8;
	[tilespmem:$0x1EC00] =	vst v63  }
0x89: {  	_ =	swait.ge [sflag:s24], $0x2000  }
0x8a: {  	[sflag:s24] =	ssyncset.done $0x0  }
0x8b: {  	s30 =	sadd.s32 $0x2880, s25;
	[sflag:s24] =	ssyncadd.s32 $0xFFFFE000  }
0x8c: {  	[spmem:s3] =	stream.indirect.scatter.add.f32 [tilespmem:s22], [sflag:$0x3], $0x40, s30, s20, $0xb8;
	[tilespmem:$0x1EC00] =	vst v63  }
0x8d: {  	_ =	swait.ge [sflag:s17], $0x2000  }
0x8e: {  	[sflag:s17] =	ssyncset.done $0x0  }
0x8f: {  	s30 =	sadd.s32 $0x180, s25;
	[sflag:s17] =	ssyncadd.s32 $0xFFFFE000  }
0x90: {  	[tilespmem:s22], [sflag:$0x2] =	stream.indirect.gather [spmem:s2], $0x40, s30, s20, $0xb8;
	[tilespmem:$0x1EC00] =	vst v63  }
0x91: {  	_ =	swait.ge [sflag:s23], $0x2000  }
0x92: {  	[sflag:s23] =	ssyncset.done $0x0  }
0x93: {  	s30 =	sadd.s32 $0x2900, s25;
	[sflag:s23] =	ssyncadd.s32 $0xFFFFE000  }
0x94: {  	[spmem:s3] =	stream.indirect.scatter.add.f32 [tilespmem:s21], [sflag:$0x3], $0x40, s30, s20, $0xb8;
	[tilespmem:$0x1EC00] =	vst v63  }
0x95: {  	_ =	swait.ge [sflag:s17], $0x2000  }
0x96: {  	[sflag:s17] =	ssyncset.done $0x0  }
0x97: {  	s30 =	sadd.s32 $0x200, s25;
	[sflag:s17] =	ssyncadd.s32 $0xFFFFE000  }
0x98: {  	[tilespmem:s21], [sflag:$0x1] =	stream.indirect.gather [spmem:s2], $0x40, s30, s20, $0xb8;
	[tilespmem:$0x1EC00] =	vst v63  }
0x99: {  	_ =	swait.ge [sflag:s24], $0x2000  }
0x9a: {  	[sflag:s24] =	ssyncset.done $0x0  }
0x9b: {  	s30 =	sadd.s32 $0x2980, s25;
	[sflag:s24] =	ssyncadd.s32 $0xFFFFE000  }
0x9c: {  	[spmem:s3] =	stream.indirect.scatter.add.f32 [tilespmem:s22], [sflag:$0x3], $0x40, s30, s20, $0xb8;
	[tilespmem:$0x1EC00] =	vst v63  }
0x9d: {  	_ =	swait.ge [sflag:s17], $0x2000  }
0x9e: {  	[sflag:s17] =	ssyncset.done $0x0  }
0x9f: {  	s30 =	sadd.s32 $0x280, s25;
	[sflag:s17] =	ssyncadd.s32 $0xFFFFE000  }
0xa0: {  	[tilespmem:s22], [sflag:$0x2] =	stream.indirect.gather [spmem:s2], $0x40, s30, s20, $0xb8;
	[tilespmem:$0x1EC00] =	vst v63  }
0xa1: {  	_ =	swait.ge [sflag:s23], $0x2000  }
0xa2: {  	[sflag:s23] =	ssyncset.done $0x0  }
0xa3: {  	s30 =	sadd.s32 $0x2A00, s25;
	[sflag:s23] =	ssyncadd.s32 $0xFFFFE000  }
0xa4: {  	[spmem:s3] =	stream.indirect.scatter.add.f32 [tilespmem:s21], [sflag:$0x3], $0x40, s30, s20, $0xb8;
	[tilespmem:$0x1EC00] =	vst v63  }
0xa5: {  	_ =	swait.ge [sflag:s17], $0x2000  }
0xa6: {  	[sflag:s17] =	ssyncset.done $0x0  }
0xa7: {  	s30 =	sadd.s32 $0x300, s25;
	[sflag:s17] =	ssyncadd.s32 $0xFFFFE000  }
0xa8: {  	[tilespmem:s21], [sflag:$0x1] =	stream.indirect.gather [spmem:s2], $0x40, s30, s20, $0xb8;
	[tilespmem:$0x1EC00] =	vst v63  }
0xa9: {  	_ =	swait.ge [sflag:s24], $0x2000  }
0xaa: {  	[sflag:s24] =	ssyncset.done $0x0  }
0xab: {  	s30 =	sadd.s32 $0x2A80, s25;
	[sflag:s24] =	ssyncadd.s32 $0xFFFFE000  }
0xac: {  	[spmem:s3] =	stream.indirect.scatter.add.f32 [tilespmem:s22], [sflag:$0x3], $0x40, s30, s20, $0xb8;
	[tilespmem:$0x1EC00] =	vst v63  }
0xad: {  	_ =	swait.ge [sflag:s17], $0x2000  }
0xae: {  	[sflag:s17] =	ssyncset.done $0x0  }
0xaf: {  	s30 =	sadd.s32 $0x380, s25;
	[sflag:s17] =	ssyncadd.s32 $0xFFFFE000  }
0xb0: {  	[tilespmem:s22], [sflag:$0x2] =	stream.indirect.gather [spmem:s2], $0x40, s30, s20, $0xb8;
	[tilespmem:$0x1EC00] =	vst v63  }
0xb1: {  	_ =	swait.ge [sflag:s23], $0x2000  }
0xb2: {  	[sflag:s23] =	ssyncset.done $0x0  }
0xb3: {  	s30 =	sadd.s32 $0x2B00, s25;
	[sflag:s23] =	ssyncadd.s32 $0xFFFFE000  }
0xb4: {  	[spmem:s3] =	stream.indirect.scatter.add.f32 [tilespmem:s21], [sflag:$0x3], $0x40, s30, s20, $0xb8;
	[tilespmem:$0x1EC00] =	vst v63  }
0xb5: {  	s30 =	smin.u32 s26, $0x47;
	_ =	swait.ge [sflag:s17], $0x2000  }
0xb6: {  	s30 =	sshll.u32 s30, $0x7;
	[sflag:s17] =	ssyncset.done $0x0  }
0xb7: {  	s30 =	sadd.s32 $0x400, s30;
	[sflag:s17] =	ssyncadd.s32 $0xFFFFE000  }
0xb8: {  	[tilespmem:s21], [sflag:$0x1] =	stream.indirect.gather [spmem:s2], $0x40, s30, s20, $0xb8;
	[tilespmem:$0x1EC00] =	vst v63  }
0xb9: {  	_ =	swait.ge [sflag:s24], $0x2000  }
.Ltmp1:
0xba: {  	[sflag:s24] =	ssyncset.done $0x0;
	(pc) =	sbr.rel @p0 .LBB2_4-.Ltmp1, $4  }
0xbb: {  	s25 =	sadd.s32 $0x2B80, s25;
	[sflag:s24] =	ssyncadd.s32 $0xFFFFE000  }
0xbc: {  	[spmem:s3] =	stream.indirect.scatter.add.f32 [tilespmem:s22], [sflag:$0x3], $0x40, s25, s20, $0xb8;
	[tilespmem:$0x1EC00] =	vst v63  }
0xbd: {  	s26 =	sadd.s32 $0x8, s26;
	_ =	swait.ge [sflag:s17], $0x2000  }
0xbe: {  	s30 =	smov.u32 s28;
	s25 =	sshra.s32 s29, $0x2;
	[sflag:s17] =	ssyncset.done $0x0  }
0xbf: {  	s28 =	sadd.s32 $0x80, s25;
	[sflag:s17] =	ssyncadd.s32 $0xFFFFE000  }
0xc0: {  	[tilespmem:s22], [sflag:$0x2] =	stream.indirect.gather [spmem:s2], $0x40, s28, s20, $0xb8;
	[tilespmem:$0x1EC00] =	vst v63  }
0xc1: {  	_ =	swait.ge [sflag:s23], $0x2000  }
0xc2: {  	[sflag:s23] =	ssyncset.done $0x0  }
0xc3: {  	s29 =	sadd.s32 $0x2800, s25;
	[sflag:s23] =	ssyncadd.s32 $0xFFFFE000  }
0xc4: {  	[spmem:s3] =	stream.indirect.scatter.add.f32 [tilespmem:s21], [sflag:$0x3], $0x40, s29, s20, $0xb8;
	[tilespmem:$0x1EC00] =	vst v63  }
0xc5: {  	_ =	swait.ge [sflag:s17], $0x2000  }
0xc6: {  	[sflag:s17] =	ssyncset.done $0x0  }
0xc7: {  	s30 =	sadd.s32 $0x100, s25;
	[sflag:s17] =	ssyncadd.s32 $0xFFFFE000  }
0xc8: {  	[tilespmem:s21], [sflag:$0x1] =	stream.indirect.gather [spmem:s2], $0x40, s30, s20, $0xb8;
	[tilespmem:$0x1EC00] =	vst v63  }
0xc9: {  	_ =	swait.ge [sflag:s24], $0x2000  }
0xca: {  	[sflag:s24] =	ssyncset.done $0x0  }
0xcb: {  	s31 =	sadd.s32 $0x2880, s25;
	[sflag:s24] =	ssyncadd.s32 $0xFFFFE000  }
0xcc: {  	[spmem:s3] =	stream.indirect.scatter.add.f32 [tilespmem:s22], [sflag:$0x3], $0x40, s31, s20, $0xb8;
	[tilespmem:$0x1EC00] =	vst v63  }
0xcd: {  	_ =	swait.ge [sflag:s17], $0x2000  }
0xce: {  	[sflag:s17] =	ssyncset.done $0x0  }
0xcf: {  	s29 =	sadd.s32 $0x180, s25;
	[sflag:s17] =	ssyncadd.s32 $0xFFFFE000  }
0xd0: {  	[tilespmem:s22], [sflag:$0x2] =	stream.indirect.gather [spmem:s2], $0x40, s29, s20, $0xb8;
	[tilespmem:$0x1EC00] =	vst v63  }
0xd1: {  	_ =	swait.ge [sflag:s23], $0x2000  }
0xd2: {  	[sflag:s23] =	ssyncset.done $0x0  }
0xd3: {  	s30 =	sadd.s32 $0x2900, s25;
	[sflag:s23] =	ssyncadd.s32 $0xFFFFE000  }
0xd4: {  	[spmem:s3] =	stream.indirect.scatter.add.f32 [tilespmem:s21], [sflag:$0x3], $0x40, s30, s20, $0xb8;
	[tilespmem:$0x1EC00] =	vst v63  }
0xd5: {  	_ =	swait.ge [sflag:s17], $0x2000  }
0xd6: {  	[sflag:s17] =	ssyncset.done $0x0  }
0xd7: {  	s31 =	sadd.s32 $0x200, s25;
	[sflag:s17] =	ssyncadd.s32 $0xFFFFE000  }
0xd8: {  	[tilespmem:s21], [sflag:$0x1] =	stream.indirect.gather [spmem:s2], $0x40, s31, s20, $0xb8;
	[tilespmem:$0x1EC00] =	vst v63  }
0xd9: {  	_ =	swait.ge [sflag:s24], $0x2000  }
0xda: {  	[sflag:s24] =	ssyncset.done $0x0  }
0xdb: {  	s29 =	sadd.s32 $0x2980, s25;
	[sflag:s24] =	ssyncadd.s32 $0xFFFFE000  }
0xdc: {  	[spmem:s3] =	stream.indirect.scatter.add.f32 [tilespmem:s22], [sflag:$0x3], $0x40, s29, s20, $0xb8;
	[tilespmem:$0x1EC00] =	vst v63  }
0xdd: {  	_ =	swait.ge [sflag:s17], $0x2000  }
0xde: {  	[sflag:s17] =	ssyncset.done $0x0  }
0xdf: {  	s30 =	sadd.s32 $0x280, s25;
	[sflag:s17] =	ssyncadd.s32 $0xFFFFE000  }
0xe0: {  	[tilespmem:s22], [sflag:$0x2] =	stream.indirect.gather [spmem:s2], $0x40, s30, s20, $0xb8;
	[tilespmem:$0x1EC00] =	vst v63  }
0xe1: {  	_ =	swait.ge [sflag:s23], $0x2000  }
0xe2: {  	[sflag:s23] =	ssyncset.done $0x0  }
0xe3: {  	s31 =	sadd.s32 $0x2A00, s25;
	[sflag:s23] =	ssyncadd.s32 $0xFFFFE000  }
0xe4: {  	[spmem:s3] =	stream.indirect.scatter.add.f32 [tilespmem:s21], [sflag:$0x3], $0x40, s31, s20, $0xb8;
	[tilespmem:$0x1EC00] =	vst v63  }
0xe5: {  	_ =	swait.ge [sflag:s17], $0x2000  }
0xe6: {  	[sflag:s17] =	ssyncset.done $0x0  }
0xe7: {  	s29 =	sadd.s32 $0x300, s25;
	[sflag:s17] =	ssyncadd.s32 $0xFFFFE000  }
0xe8: {  	[tilespmem:s21], [sflag:$0x1] =	stream.indirect.gather [spmem:s2], $0x40, s29, s20, $0xb8;
	[tilespmem:$0x1EC00] =	vst v63  }
0xe9: {  	_ =	swait.ge [sflag:s24], $0x2000  }
0xea: {  	[sflag:s24] =	ssyncset.done $0x0  }
0xeb: {  	s30 =	sadd.s32 $0x2A80, s25;
	[sflag:s24] =	ssyncadd.s32 $0xFFFFE000  }
0xec: {  	[spmem:s3] =	stream.indirect.scatter.add.f32 [tilespmem:s22], [sflag:$0x3], $0x40, s30, s20, $0xb8;
	[tilespmem:$0x1EC00] =	vst v63  }
0xed: {  	_ =	swait.ge [sflag:s17], $0x2000  }
0xee: {  	[sflag:s17] =	ssyncset.done $0x0  }
0xef: {  	s31 =	sadd.s32 $0x380, s25;
	[sflag:s17] =	ssyncadd.s32 $0xFFFFE000  }
0xf0: {  	[tilespmem:s22], [sflag:$0x2] =	stream.indirect.gather [spmem:s2], $0x40, s31, s20, $0xb8;
	[tilespmem:$0x1EC00] =	vst v63  }
0xf1: {  	_ =	swait.ge [sflag:s23], $0x2000  }
0xf2: {  	[sflag:s23] =	ssyncset.done $0x0  }
0xf3: {  	s29 =	sadd.s32 $0x2B00, s25;
	[sflag:s23] =	ssyncadd.s32 $0xFFFFE000  }
0xf4: {  	[spmem:s3] =	stream.indirect.scatter.add.f32 [tilespmem:s21], [sflag:$0x3], $0x40, s29, s20, $0xb8;
	[tilespmem:$0x1EC00] =	vst v63  }
0xf5: {  	s26 =	smin.u32 s26, $0x47;
	_ =	swait.ge [sflag:s17], $0x2000  }
0xf6: {  	s26 =	sshll.u32 s26, $0x7;
	[sflag:s17] =	ssyncset.done $0x0  }
0xf7: {  	s26 =	sadd.s32 $0x400, s26;
	[sflag:s17] =	ssyncadd.s32 $0xFFFFE000  }
0xf8: {  	[tilespmem:s21], [sflag:$0x1] =	stream.indirect.gather [spmem:s2], $0x40, s26, s20, $0xb8;
	[tilespmem:$0x1EC00] =	vst v63  }
0xf9: {  	_ =	swait.ge [sflag:s24], $0x2000  }
0xfa: {  	[sflag:s24] =	ssyncset.done $0x0  }
0xfb: {  	s30 =	sadd.s32 $0x2B80, s25;
	[sflag:s24] =	ssyncadd.s32 $0xFFFFE000  }
0xfc: {  	[spmem:s3] =	stream.indirect.scatter.add.f32 [tilespmem:s22], [sflag:$0x3], $0x40, s30, s20, $0xb8;
	[tilespmem:$0x1EC00] =	vst v63  }
0xfd: {  	_ =	swait.ge [sflag:s17], $0x2000  }
0xfe: {  	[sflag:s17] =	ssyncset.done $0x0  }
0xff: {  	[sflag:s17] =	ssyncadd.s32 $0xFFFFE000  }
0x100: {  	_ =	swait.ge [sflag:s23], $0x2000  }
0x101: {  	s4 =	sadd.s32 $0x1, s4;
	[sflag:s23] =	ssyncset.done $0x0  }
0x102: {  	p0 =	sne.s32 s4, s15;
	[sflag:s23] =	ssyncadd.s32 $0xFFFFE000  }
.Ltmp2:
0x103: {  	s31 =	sshrl.u32 s7, $0x3;
	[bflag:$0x0] =	sbarrier.arrive $0xFFFF;
	(pc) =	sbr.rel @p0 .LBB2_1-.Ltmp2, $4  }
0x104: {  	[hbm:s14], [sflag:s6] =	dma.local [spmem:s31], $0x13C0  }
0x105: {  	_ =	swait.ge [sflag:s17], $0x13C0  }
0x106: {  	[sflag:s17] =	ssyncset.done $0x0  }
0x107: {  	[sflag:s17] =	ssyncadd.s32 $0xFFFFEC40  }
0x108: {  	_ =	sfence.sel $0x180000  }
0x109: {  	[bflag:$0x0] =	sbarrier.arrive $0xFFFF  }
0x10a: {  	p0 =	sne.s32 s0, $0x0;
	_ =	strace $0x9000004A  }
0x10b: {  	s0 =	sadd.s32 @!p0 $0x100000, s1;
	[bflag:$0x2] =	sbarrier.arrive $0xFFFF  }
0x10c: {  	[sflag:s0] =	ssyncadd.tile.s32 @!p0 $0x1;
	_ =	shalt  }
.Lfunc_end2:
_tile_overlayer_lowered:
.L_overlay_start_2:
0x10d: {  	(tag) =	ssettag $0x2  }
0x10e: {  	s0 =	rddreg [dreg:$0x0];
	s2 =	stileid.u32  }
0x10f: {  	s1 =	rddreg [dreg:$0x1];
	p0 =	sne.s32 s2, $0x0  }
0x110: {  	s3 =	rddreg [dreg:$0x2];
	[bflag:$0x3] =	sbarrier.arrive $0xFFFF;
	s2 =	simm.s32 @!p0 $0x1C03  }
0x111: {  	[timem:s3], [sflag:s2] =	dma.local @!p0 [hbm:s0], s1  }
0x112: {  	s0 =	simm.s32 @!p0 $0x3  }
0x113: {  	_ =	swait.ge @!p0 [sflag:s0], s1  }
0x114: {  	s1 =	ssub.s32 @!p0 $0x0, s1;
	[sflag:s0] =	ssyncset.done @!p0 $0x0  }
0x115: {  	[sflag:s0] =	ssyncadd.s32 @!p0 s1  }
0x116: {  	[bflag:$0x3] =	sbarrier.arrive $0xFFFF  }
0x117: {  	_ =	shalt  }

// kernel: kernel.7.cloned.1.call-start
scs
__scs_entry_jumppad:
0x0: {  	(pc) =	sbr.rel $0x88, $3  }
0x1: {  	(tag) =	ssettag $0x0;
	lr =	simm.s32 $0x1  }
0x2: {  	[smem:$0x3F9D] =	sst lr;
	_ =	strace $0xD0000000  }
0x3: {  	_ = 	snop  }
0x4: {  	_ = 	snop  }
0x5: {  	_ = 	snop  }
0x6: {  	_ = 	snop  }
0x7: {  	_ = 	snop  }
__scs_overlays_trampoline_lowered:
0x8: {  	[smem:$0x3FAC] =	sst s0  }
0x9: {  	[smem:$0x3FAD] =	sst s1  }
0xa: {  	[smem:$0x3FAE] =	sst s2  }
0xb: {  	[smem:$0x3FAF] =	sst s3  }
0xc: {  	[smem:$0x3FB0] =	sst s4  }
0xd: {  	[smem:$0x3FB1] =	sst s5  }
0xe: {  	[smem:$0x3FB2] =	sst s6  }
0xf: {  	[smem:$0x3FB3] =	sst s7  }
0x10: {  	[smem:$0x3FB4] =	sst s8  }
0x11: {  	[smem:$0x3FB5] =	sst s9;
	s0 =	simm.s32 @!p0 $0x0  }
0x12: {  	s1 =	sld [smem:$0x3F9B];
	s0 =	simm.s32 @p0 $0x1  }
0x13: {  	[smem:$0x3FB6] =	sst s0;
	s0 =	simm.s32 @!p1 $0x0  }
0x14: {  	s2 =	sld [smem:$0x3F9A];
	s0 =	simm.s32 @p1 $0x1  }
0x15: {  	[smem:$0x3FB7] =	sst s0;
	s0 =	simm.s32 @!p2 $0x0  }
0x16: {  	s3 =	sld [smem:$0x3FDB];
	s0 =	simm.s32 @p2 $0x1  }
0x17: {  	s4 =	simm.s32 $0x1BF5;
	[smem:$0x3FB9] =	sst s0  }
0x18: {  	s0 =	sld [smem:$0x3F9C];
	_ =	swait.ge [sflag:s4], $0x0  }
0x19: {  	s7 =	sld [smem:$0x3F9D]  }
0x1a: {  	s8 =	sadd.s32 $0xFFFFE003, lr  }
0x1b: {  	s9 =	sadd.s32 $0xFFFFFEF7, lr;
	s5 =	simm.s32 $0xFFFFFFFF;
	p2 =	slt.u32 s8, $0xFFFFF086  }
0x1c: {  	p1 =	slt.u32 s9, $0xF7A;
	s5 =	simm.s32 @!p2 $0x0  }
0x1d: {  	s5 =	simm.s32 @p1 $0x1;
	p0 =	seq.s32 s7, s2  }
0x1e: {  	s7 =	smul.u32 @!p0 $0xF7A, s2;
	p2 =	seq.s32 @!p0 s5, $0x0  }
0x1f: {  	s9 =	smul.u32 $0xF7A, s1;
	s8 =	simm.s32 @!p0 $0x1BF5;
	p2 =	por !p2, p0  }
0x20: {  	[sflag:s8] =	ssyncset.s32 @!p0 $0xFFFFF086;
	s6 =	sadd.s32 @!p0 s3, s7;
	s7 =	simm.s32 @!p0 $0x108  }
0x21: {  	s3 =	sadd.s32 s3, s9;
	s6 =	sadd.s32 @!p0 $0x88, s6;
	s7 =	simm.s32 @p2 $0x1082  }
0x22: {  	[simem:s7], [sflag:s8] =	dma.local @!p0 [hbm:s6], $0xF7A  }
0x23: {  	s9 =	sor.u32 $0xD0000000, s2;
	s6 =	simm.s32 $0x108;
	_ =	swait.ge @!p0 [sflag:s8], $0x0  }
0x24: {  	s3 =	sadd.s32 $0x88, s3;
	s6 =	simm.s32 @!p1 $0x1082;
	[sflag:s4] =	ssyncset.s32 $0xFFFFF086  }
0x25: {  	[simem:s6], [sflag:s4] =	dma.local [hbm:s3], $0xF7A  }
0x26: {  	[smem:$0x3F9D] =	sst s1;
	(tag) =	ssettag s2;
	_ =	strace s9  }
0x27: {  	s1 =	sld [smem:$0x3FAD]  }
0x28: {  	s2 =	sld [smem:$0x3FAE]  }
0x29: {  	s4 =	sld [smem:$0x3FB0]  }
0x2a: {  	p0 =	seq.s32 s5, $0x0;
	s5 =	sld [smem:$0x3FB1]  }
0x2b: {  	s6 =	sld [smem:$0x3FB2]  }
0x2c: {  	s7 =	sld [smem:$0x3FB3]  }
0x2d: {  	s3 =	simm.s32 $0x108;
	s8 =	sld [smem:$0x3FB4]  }
0x2e: {  	s3 =	simm.s32 @!p0 $0x1082;
	s9 =	sld [smem:$0x3FB5]  }
0x2f: {  	lr =	sadd.s32 s0, s3;
	s0 =	sld [smem:$0x3FAC]  }
0x30: {  	s3 =	sld [smem:$0x3FAF]  }
0x31: {  	[smem:$0x3FB8] =	sst s10  }
0x32: {  	s10 =	sld [smem:$0x3FB6];
	_ =	sdelay $0x3  }
0x33: {  	p0 =	seq.s32 s10, $0x1;
	s10 =	sld [smem:$0x3FB8];
	_ =	sdelay $0x3  }
0x34: {  	[smem:$0x3FB8] =	sst s10  }
0x35: {  	s10 =	sld [smem:$0x3FB7];
	_ =	sdelay $0x3  }
0x36: {  	p1 =	seq.s32 s10, $0x1;
	s10 =	sld [smem:$0x3FB8];
	_ =	sdelay $0x3  }
0x37: {  	[smem:$0x3FB8] =	sst s10  }
0x38: {  	s10 =	sld [smem:$0x3FB9]  }
0x39: {  	_ = 	snop;
	(pc) =	sbr.ind lr, $3  }
0x3a: {  	_ = 	snop  }
0x3b: {  	_ = 	snop  }
0x3c: {  	p2 =	seq.s32 s10, $0x1;
	s10 =	sld [smem:$0x3FB8]  }
0x3d: {  	_ =	shalt  }
0x3e: {  	_ =	shalt  }
0x3f: {  	_ =	shalt  }
0x40: {  	_ =	shalt  }
0x41: {  	_ =	shalt  }
0x42: {  	_ =	shalt  }
0x43: {  	_ =	shalt  }
0x44: {  	_ =	shalt  }
0x45: {  	_ =	shalt  }
0x46: {  	_ =	shalt  }
0x47: {  	_ =	shalt  }
0x48: {  	_ =	shalt  }
0x49: {  	_ =	shalt  }
0x4a: {  	_ =	shalt  }
0x4b: {  	_ =	shalt  }
0x4c: {  	_ =	shalt  }
0x4d: {  	_ =	shalt  }
0x4e: {  	_ =	shalt  }
0x4f: {  	_ =	shalt  }
0x50: {  	_ =	shalt  }
0x51: {  	_ =	shalt  }
0x52: {  	_ =	shalt  }
0x53: {  	_ =	shalt  }
0x54: {  	_ =	shalt  }
0x55: {  	_ =	shalt  }
0x56: {  	_ =	shalt  }
0x57: {  	_ =	shalt  }
0x58: {  	_ =	shalt  }
0x59: {  	_ =	shalt  }
0x5a: {  	_ =	shalt  }
0x5b: {  	_ =	shalt  }
0x5c: {  	_ =	shalt  }
0x5d: {  	_ =	shalt  }
0x5e: {  	_ =	shalt  }
0x5f: {  	_ =	shalt  }
0x60: {  	_ =	shalt  }
0x61: {  	_ =	shalt  }
0x62: {  	_ =	shalt  }
0x63: {  	_ =	shalt  }
0x64: {  	_ =	shalt  }
0x65: {  	_ =	shalt  }
0x66: {  	_ =	shalt  }
0x67: {  	_ =	shalt  }
0x68: {  	_ =	shalt  }
0x69: {  	_ =	shalt  }
0x6a: {  	_ =	shalt  }
0x6b: {  	_ =	shalt  }
0x6c: {  	_ =	shalt  }
0x6d: {  	_ =	shalt  }
0x6e: {  	_ =	shalt  }
0x6f: {  	_ =	shalt  }
0x70: {  	_ =	shalt  }
0x71: {  	_ =	shalt  }
0x72: {  	_ =	shalt  }
0x73: {  	_ =	shalt  }
0x74: {  	_ =	shalt  }
0x75: {  	_ =	shalt  }
0x76: {  	_ =	shalt  }
0x77: {  	_ =	shalt  }
0x78: {  	_ =	shalt  }
0x79: {  	_ =	shalt  }
0x7a: {  	_ =	shalt  }
0x7b: {  	_ =	shalt  }
0x7c: {  	_ =	shalt  }
0x7d: {  	_ =	shalt  }
0x7e: {  	_ =	shalt  }
0x7f: {  	_ =	shalt  }
0x80: {  	_ =	shalt  }
0x81: {  	_ =	shalt  }
0x82: {  	_ =	shalt  }
0x83: {  	_ =	shalt  }
0x84: {  	_ =	shalt  }
0x85: {  	_ =	shalt  }
0x86: {  	_ =	shalt  }
0x87: {  	_ =	shalt  }
.Lfunc_end0:
.L_simem_size_0:
called_computation_lowered:
.L_overlay_start_0:
0x88: {  	s2 =	sld [smem:$0x3FD9]  }
0x89: {  	s3 =	sld [smem:$0x3FFE];
	_ =	sdelay $0x1  }
0x8a: {  	s1 =	srdreg.scid  }
0x8b: {  	s0 =	sand.u32 $0x1, s1  }
0x8c: {  	s17 =	sshll.u32 s0, $0xA;
	s2 =	sadd.s32 s3, s2  }
0x8d: {  	s2 =	sadd.s32 s2, s17  }
0x8e: {  	[smem:$0x3FC4] =	sst s2  }
0x8f: {  	_ = 	snop  }
0x90: {  	s2 =	sld [smem:$0x3FD0];
	(tm) =	ssettm $0x1  }
0x91: {  	s18 =	sld [smem:$0x3FFB];
	_ =	sdelay $0x3  }
0x92: {  	_ =	strace s18  }
0x93: {  	s3 =	sld [smem:$0x3FFC];
	_ =	sdelay $0x3  }
0x94: {  	_ =	strace s3  }
0x95: {  	s3 =	sld [smem:$0x3FFD];
	_ =	sdelay $0x3  }
0x96: {  	_ =	strace s3  }
0x97: {  	_ =	strace $0x8FFFFFFF  }
0x98: {  	s19 =	sld [smem:$0x3FDB];
	_ =	sdelay $0x1  }
0x99: {  	s4 =	simm.s32 $_scs_section_size  }
0x9a: {  	s5 =	simm.s32 $_size__tile_overlayer_lowered;
	s6 =	simm.s32 $_tile_overlayer_lowered  }
0x9b: {  	s22 =	simm.s32 $0x1BFF;
	s21 =	sshll.u32 s6, $0x1;
	s3 =	sadd.s32 s4, s19  }
0x9c: {  	s7 =	simm.s32 $0x0;
	s20 =	sshll.u32 s5, $0x1;
	s5 =	sadd.s32 s21, s3  }
0x9d: {  	[timem:s7], [sflag:s22] =	dma.local [hbm:s5], s20  }
0x9e: {  	_ =	swait.ge [sflag:s22], s20  }
0x9f: {  	s4 =	ssub.s32 $0x0, s20;
	[sflag:s22] =	ssyncset.done $0x0  }
0xa0: {  	[sflag:s22] =	ssyncadd.s32 s4;
	_ =	sdelay $0x1  }
0xa1: {  	s23 =	simm.s32 $0x1B8B  }
0xa2: {  	_ =	swait.ge [sflag:s23], $0x1  }
0xa3: {  	[sflag:s23] =	ssyncset.done $0x0  }
0xa4: {  	s25 =	simm.s32 $0x1B8E;
	s24 =	sld [smem:$0x3FFE];
	[sflag:s23] =	ssyncadd.s32 $0xFFFFFFFF  }
0xa5: {  	s26 =	simm.s32 $execute0_lowered;
	[smem:$0x3FD2] =	sst s25  }
0xa6: {  	s5 =	sshll.u32 s26, $0x1;
	_ =	strace $0x80000046;
	[dreg:$0x1] =	wrdreg $0xFFFFFFFF  }
0xa7: {  	s28 =	simm.s32 $_size_execute0_lowered;
	s3 =	sadd.s32 s3, s5;
	[dreg:$0x0] =	wrdreg $0x0  }
0xa8: {  	s5 =	sshll.u32 s28, $0x1;
	[dreg:$0x2] =	wrdreg s3  }
0xa9: {  	[dreg:$0x3] =	wrdreg s5  }
0xaa: {  	[dreg:$0x4] =	wrdreg $0xC0  }
0xab: {  	_ =	task [dreg:s7], $0x5FFFF  }
0xac: {  	[dreg:$0x1] =	wrdreg $0xFFFFFFFF  }
0xad: {  	[dreg:$0x0] =	wrdreg $0x60  }
0xae: {  	[dreg:$0x2] =	wrdreg s2  }
0xaf: {  	[dreg:$0x3] =	wrdreg s24  }
0xb0: {  	[dreg:$0x4] =	wrdreg $0xB0000  }
0xb1: {  	[dreg:$0x5] =	wrdreg $0x14E000  }
0xb2: {  	[dreg:$0x6] =	wrdreg $0x9  }
0xb3: {  	_ =	task.clear_ibuf [dreg:s7], $0x7FFFF;
	_ =	strace $0x90000046  }
0xb4: {  	s29 =	simm.s32 $0x9;
	_ =	strace $0x80000048  }
0xb5: {  	_ =	swait.ge [sflag:s29], $0x1  }
0xb6: {  	[sflag:s29] =	ssyncadd.s32 $0xFFFFFFFF  }
0xb7: {  	_ =	strace $0x90000048  }
0xb8: {  	_ =	sfence  }
0xb9: {  	s30 =	sld [smem:$0x0];
	_ =	sdelay $0x2  }
0xba: {  	s31 =	sshll.u32 s1, $0xD;
	s1 =	sshrl.u32 s1, $0x2  }
0xbb: {  	s3 =	sand.u32 $0x4000, s31;
	s1 =	sadd.s32 s1, s30  }
0xbc: {  	s0 =	sor.u32 s3, s0;
	s1 =	sshll.u32 s1, $0x11  }
0xbd: {  	s0 =	sor.u32 s1, s0  }
0xbe: {  	s0 =	sadd.s32 $0x8F2B, s0  }
0xbf: {  	[sflag:s0] =	ssyncadd.remote.s32 $0x1  }
0xc0: {  	_ =	sfence.sel $0xFFFF  }
0xc1: {  	[dreg:$0x0] =	wrdreg $0xFFFFFFFF;
	(pc) =	sbr.abs _section_cstart, $3  }
0xc2: {  	[dreg:$0x1] =	wrdreg $0xFFFFFFFF  }
0xc3: {  	_ =	task.clear_ibuf [dreg:s7], $0x2FFFF;
	_ =	strace $0x9FFFFFFF  }
0xc4: {  	(tm) =	ssettm $0x7FFFFFFF  }
0xc5: {  	_ =	shalt  }
tec
execute0_lowered:
.L_overlay_start_1:
0x0: {  	(tag) =	ssettag $0x1  }
0x1: {  	s5 =	rddreg [dreg:$0x0]  }
0x2: {  	s6 =	rddreg [dreg:$0x1]  }
0x3: {  	s1 =	srdreg.scid;
	s2 =	rddreg [dreg:$0x2]  }
0x4: {  	s0 =	stileid.u32;
	s3 =	rddreg [dreg:$0x3];
	s4 =	simm.s32 $0x0  }
0x5: {  	s17 =	simm.s32 $0x3;
	s18 =	simm.s32 $0x9000;
	s19 =	simm.s32 $0x2800  }
0x6: {  	s20 =	simm.s32 $0x80;
	s21 =	simm.s32 $0x5000;
	s22 =	simm.s32 $0x7000  }
0x7: {  	s23 =	simm.s32 $0x1;
	s24 =	simm.s32 $0x2;
	s9 =	smul.u32 $0x9E00, s0  }
0x8: {  	s7 =	sand.u32 $0x1, s1;
	s25 =	sshll.u32 s0, $0x1;
	s11 =	smul.u32 $0x27800, s0  }
0x9: {  	[smem:$0x7FF] =	sst s4;
	s1 =	sor.u32 s7, s25;
	s10 =	smul.u32 $0x9E000, s7  }
0xa: {  	s30 =	sshll.u32 s0, $0x6;
	s7 =	ssub.s32 $0x2, s7;
	s8 =	smul.u32 $0x500, s1  }
0xb: {  	s1 =	rddreg [dreg:$0x4];
	_ =	strace $0x80000047;
	s28 =	sshrl.u32 s7, $0x1  }
0xc: {  	s16 =	sadd.s32 s9, s2;
	s29 =	sshrl.u32 s9, $0x3;
	s31 =	sshrl.u32 s11, $0x2  }
0xd: {  	s26 =	sadd.s32 s9, s10;
	s15 =	ssub.s32 s7, s28;
	s5 =	sadd.s32 s5, s29  }
0xe: {  	s11 =	sadd.s32 s31, s3;
	s7 =	sadd.s32 s9, s3;
	s16 =	sshrl.u32 s16, $0x3  }
0xf: {  	s13 =	sadd.s32 s8, s6;
	s8 =	sshrl.u32 s26, $0x3;
	s9 =	sadd.s32 $0x4000, s11  }
0x10: {  	s10 =	sadd.s32 $0x6000, s11;
	s15 =	smax.u32 s15, $0x1;
	s14 =	sadd.s32 s8, s6  }
0x11: {  	s6 =	sor.u32 $0x1C03, s30;
	s8 =	sadd.s32 $0x2000, s11;
	s11 =	sadd.s32 $0x8000, s11  }
0x12: {  	v0 =	vimm.f32 $0.0e+00;
	s12 =	sadd.s32 $0xA600, s13;
	s13 =	sadd.s32 $0x600, s13;
	s14 =	sadd.s32 $0x14600, s14  }
.LBB2_1:
0x13: {  	[spmem:s16], [sflag:s6] =	dma.local [hbm:s5], $0x13C0  }
0x14: {  	_ =	swait.ge [sflag:s17], $0x13C0  }
0x15: {  	[sflag:s17] =	ssyncset.done $0x0  }
0x16: {  	s26 =	simm.s32 $0x100;
	s25 =	simm.s32 $0x0;
	[sflag:s17] =	ssyncadd.s32 $0xFFFFEC40  }
.LBB2_2:
0x17: {  	p0 =	sne.s32 s26, $0x7F00;
	[tilespmem:s25+$0x9030] =	vst v0;
	s28 =	smov.u32 s26;
	s26 =	sadd.s32 $0x100, s26  }
.Ltmp0:
0x18: {  	[tilespmem:s25+$0x9020] =	vst v0;
	(pc) =	sbr.rel @p0 .LBB2_2-.Ltmp0, $3  }
0x19: {  	[tilespmem:s25+$0x9000] =	vst v0  }
0x1a: {  	[tilespmem:s25+$0x9010] =	vst v0;
	_ =	sdelay $0x1  }
0x1b: {  	s25 =	sshra.s32 s28, $0x2  }
0x1c: {  	[tilespmem:s25+$0x9030] =	vst v0  }
0x1d: {  	[tilespmem:s25+$0x9020] =	vst v0  }
0x1e: {  	[tilespmem:s25+$0x9000] =	vst v0  }
0x1f: {  	[tilespmem:s25+$0x9010] =	vst v0  }
0x20: {  	[spmem:s7] =	stream.linear.scatter [tilespmem:s18], [sflag:$0x3], $0x2000, $0x38;
	[tilespmem:$0x1EC00] =	vst v63  }
0x21: {  	_ =	swait.ge [sflag:s17], $0x2000  }
0x22: {  	[sflag:s17] =	ssyncset.done $0x0  }
0x23: {  	[sflag:s17] =	ssyncadd.s32 $0xFFFFE000  }
0x24: {  	[spmem:s8] =	stream.linear.scatter [tilespmem:s18], [sflag:$0x3], $0x2000, $0x38;
	[tilespmem:$0x1EC00] =	vst v63  }
0x25: {  	_ =	swait.ge [sflag:s17], $0x2000  }
0x26: {  	[sflag:s17] =	ssyncset.done $0x0  }
0x27: {  	[sflag:s17] =	ssyncadd.s32 $0xFFFFE000  }
0x28: {  	[spmem:s9] =	stream.linear.scatter [tilespmem:s18], [sflag:$0x3], $0x2000, $0x38;
	[tilespmem:$0x1EC00] =	vst v63  }
0x29: {  	_ =	swait.ge [sflag:s17], $0x2000  }
0x2a: {  	[sflag:s17] =	ssyncset.done $0x0  }
0x2b: {  	[sflag:s17] =	ssyncadd.s32 $0xFFFFE000  }
0x2c: {  	[spmem:s10] =	stream.linear.scatter [tilespmem:s18], [sflag:$0x3], $0x2000, $0x38;
	[tilespmem:$0x1EC00] =	vst v63  }
0x2d: {  	_ =	swait.ge [sflag:s17], $0x2000  }
0x2e: {  	[sflag:s17] =	ssyncset.done $0x0  }
0x2f: {  	[sflag:s17] =	ssyncadd.s32 $0xFFFFE000  }
0x30: {  	[spmem:s11] =	stream.linear.scatter [tilespmem:s18], [sflag:$0x3], $0x1E00, $0x38;
	[tilespmem:$0x1EC00] =	vst v63  }
0x31: {  	_ =	swait.ge [sflag:s17], $0x1E00  }
0x32: {  	[sflag:s17] =	ssyncset.done $0x0  }
0x33: {  	s25 =	simm.s32 $0x0;
	[sflag:s17] =	ssyncadd.s32 $0xFFFFE200  }
0x34: {  	[tilespmem:s25], [sflag:$0x3] =	stream.linear.gather [hbm4b:s12+s25], $0x2800, $0x38;
	[tilespmem:$0x1EC00] =	vst v63  }
0x35: {  	_ =	swait.ge [sflag:s17], $0x2800  }
0x36: {  	[sflag:s17] =	ssyncset.done $0x0  }
0x37: {  	[sflag:s17] =	ssyncadd.s32 $0xFFFFD800  }
0x38: {  	[tilespmem:s19], [sflag:$0x3] =	stream.linear.gather [hbm4b:s13+s25], $0x2800, $0x38;
	[tilespmem:$0x1EC00] =	vst v63  }
0x39: {  	_ =	swait.ge [sflag:s17], $0x2800  }
0x3a: {  	[sflag:s17] =	ssyncset.done $0x0  }
0x3b: {  	[sflag:s17] =	ssyncadd.s32 $0xFFFFD800  }
0x3c: {  	[bflag:$0x0] =	sbarrier.arrive $0xFFFF  }
0x3d: {  	[tilespmem:s21], [sflag:$0x1] =	stream.indirect.gather [spmem:s2], $0x40, s25, s20, $0xb8;
	[tilespmem:$0x1EC00] =	vst v63  }
0x3e: {  	s26 =	simm.s32 $0x80  }
0x3f: {  	[tilespmem:s22], [sflag:$0x2] =	stream.indirect.gather [spmem:s2], $0x40, s26, s20, $0xb8;
	[tilespmem:$0x1EC00] =	vst v63  }
0x40: {  	_ =	swait.ge [sflag:s23], $0x2000  }
0x41: {  	[sflag:s23] =	ssyncset.done $0x0  }
0x42: {  	s29 =	simm.s32 $0x2800;
	[sflag:s23] =	ssyncadd.s32 $0xFFFFE000  }
0x43: {  	[spmem:s3] =	stream.indirect.scatter.add.f32 [tilespmem:s21], [sflag:$0x3], $0x40, s29, s20, $0xb8;
	[tilespmem:$0x1EC00] =	vst v63  }
0x44: {  	_ =	swait.ge [sflag:s17], $0x2000  }
0x45: {  	[sflag:s17] =	ssyncset.done $0x0  }
0x46: {  	s31 =	simm.s32 $0x100;
	[sflag:s17] =	ssyncadd.s32 $0xFFFFE000  }
0x47: {  	[tilespmem:s21], [sflag:$0x1] =	stream.indirect.gather [spmem:s2], $0x40, s31, s20, $0xb8;
	[tilespmem:$0x1EC00] =	vst v63  }
0x48: {  	_ =	swait.ge [sflag:s24], $0x2000  }
0x49: {  	[sflag:s24] =	ssyncset.done $0x0  }
0x4a: {  	s28 =	simm.s32 $0x2880;
	[sflag:s24] =	ssyncadd.s32 $0xFFFFE000  }
0x4b: {  	[spmem:s3] =	stream.indirect.scatter.add.f32 [tilespmem:s22], [sflag:$0x3], $0x40, s28, s20, $0xb8;
	[tilespmem:$0x1EC00] =	vst v63  }
0x4c: {  	_ =	swait.ge [sflag:s17], $0x2000  }
0x4d: {  	[sflag:s17] =	ssyncset.done $0x0  }
0x4e: {  	s29 =	simm.s32 $0x180;
	[sflag:s17] =	ssyncadd.s32 $0xFFFFE000  }
0x4f: {  	[tilespmem:s22], [sflag:$0x2] =	stream.indirect.gather [spmem:s2], $0x40, s29, s20, $0xb8;
	[tilespmem:$0x1EC00] =	vst v63  }
0x50: {  	_ =	swait.ge [sflag:s23], $0x2000  }
0x51: {  	[sflag:s23] =	ssyncset.done $0x0  }
0x52: {  	s31 =	simm.s32 $0x2900;
	[sflag:s23] =	ssyncadd.s32 $0xFFFFE000  }
0x53: {  	[spmem:s3] =	stream.indirect.scatter.add.f32 [tilespmem:s21], [sflag:$0x3], $0x40, s31, s20, $0xb8;
	[tilespmem:$0x1EC00] =	vst v63  }
0x54: {  	_ =	swait.ge [sflag:s17], $0x2000  }
0x55: {  	[sflag:s17] =	ssyncset.done $0x0  }
0x56: {  	s28 =	simm.s32 $0x200;
	[sflag:s17] =	ssyncadd.s32 $0xFFFFE000  }
0x57: {  	[tilespmem:s21], [sflag:$0x1] =	stream.indirect.gather [spmem:s2], $0x40, s28, s20, $0xb8;
	[tilespmem:$0x1EC00] =	vst v63  }
0x58: {  	_ =	swait.ge [sflag:s24], $0x2000  }
0x59: {  	[sflag:s24] =	ssyncset.done $0x0  }
0x5a: {  	s29 =	simm.s32 $0x2980;
	[sflag:s24] =	ssyncadd.s32 $0xFFFFE000  }
0x5b: {  	[spmem:s3] =	stream.indirect.scatter.add.f32 [tilespmem:s22], [sflag:$0x3], $0x40, s29, s20, $0xb8;
	[tilespmem:$0x1EC00] =	vst v63  }
0x5c: {  	_ =	swait.ge [sflag:s17], $0x2000  }
0x5d: {  	[sflag:s17] =	ssyncset.done $0x0  }
0x5e: {  	s31 =	simm.s32 $0x280;
	[sflag:s17] =	ssyncadd.s32 $0xFFFFE000  }
0x5f: {  	[tilespmem:s22], [sflag:$0x2] =	stream.indirect.gather [spmem:s2], $0x40, s31, s20, $0xb8;
	[tilespmem:$0x1EC00] =	vst v63  }
0x60: {  	_ =	swait.ge [sflag:s23], $0x2000  }
0x61: {  	[sflag:s23] =	ssyncset.done $0x0  }
0x62: {  	s28 =	simm.s32 $0x2A00;
	[sflag:s23] =	ssyncadd.s32 $0xFFFFE000  }
0x63: {  	[spmem:s3] =	stream.indirect.scatter.add.f32 [tilespmem:s21], [sflag:$0x3], $0x40, s28, s20, $0xb8;
	[tilespmem:$0x1EC00] =	vst v63  }
0x64: {  	_ =	swait.ge [sflag:s17], $0x2000  }
0x65: {  	[sflag:s17] =	ssyncset.done $0x0  }
0x66: {  	s29 =	simm.s32 $0x300;
	[sflag:s17] =	ssyncadd.s32 $0xFFFFE000  }
0x67: {  	[tilespmem:s21], [sflag:$0x1] =	stream.indirect.gather [spmem:s2], $0x40, s29, s20, $0xb8;
	[tilespmem:$0x1EC00] =	vst v63  }
0x68: {  	_ =	swait.ge [sflag:s24], $0x2000  }
0x69: {  	[sflag:s24] =	ssyncset.done $0x0  }
0x6a: {  	s31 =	simm.s32 $0x2A80;
	[sflag:s24] =	ssyncadd.s32 $0xFFFFE000  }
0x6b: {  	[spmem:s3] =	stream.indirect.scatter.add.f32 [tilespmem:s22], [sflag:$0x3], $0x40, s31, s20, $0xb8;
	[tilespmem:$0x1EC00] =	vst v63  }
0x6c: {  	_ =	swait.ge [sflag:s17], $0x2000  }
0x6d: {  	[sflag:s17] =	ssyncset.done $0x0  }
0x6e: {  	s28 =	simm.s32 $0x380;
	[sflag:s17] =	ssyncadd.s32 $0xFFFFE000  }
0x6f: {  	[tilespmem:s22], [sflag:$0x2] =	stream.indirect.gather [spmem:s2], $0x40, s28, s20, $0xb8;
	[tilespmem:$0x1EC00] =	vst v63  }
0x70: {  	_ =	swait.ge [sflag:s23], $0x2000  }
0x71: {  	[sflag:s23] =	ssyncset.done $0x0  }
0x72: {  	s29 =	simm.s32 $0x2B00;
	[sflag:s23] =	ssyncadd.s32 $0xFFFFE000  }
0x73: {  	[spmem:s3] =	stream.indirect.scatter.add.f32 [tilespmem:s21], [sflag:$0x3], $0x40, s29, s20, $0xb8;
	[tilespmem:$0x1EC00] =	vst v63  }
0x74: {  	s25 =	smin.u32 s25, $0x47;
	_ =	swait.ge [sflag:s17], $0x2000  }
0x75: {  	s25 =	sshll.u32 s25, $0x7;
	[sflag:s17] =	ssyncset.done $0x0  }
0x76: {  	s25 =	sadd.s32 $0x400, s25;
	[sflag:s17] =	ssyncadd.s32 $0xFFFFE000  }
0x77: {  	[tilespmem:s21], [sflag:$0x1] =	stream.indirect.gather [spmem:s2], $0x40, s25, s20, $0xb8;
	[tilespmem:$0x1EC00] =	vst v63  }
0x78: {  	_ =	swait.ge [sflag:s24], $0x2000  }
0x79: {  	[sflag:s24] =	ssyncset.done $0x0  }
0x7a: {  	s31 =	simm.s32 $0x2B80;
	[sflag:s24] =	ssyncadd.s32 $0xFFFFE000  }
0x7b: {  	[spmem:s3] =	stream.indirect.scatter.add.f32 [tilespmem:s22], [sflag:$0x3], $0x40, s31, s20, $0xb8;
	[tilespmem:$0x1EC00] =	vst v63  }
0x7c: {  	s30 =	simm.s32 $0x2000;
	_ =	swait.ge [sflag:s17], $0x2000  }
0x7d: {  	s26 =	simm.s32 $0x8;
	s25 =	simm.s32 $0x400;
	[sflag:s17] =	ssyncset.done $0x0  }
.LBB2_4:
0x7e: {  	s31 =	sadd.s32 $0x80, s25  }
0x7f: {  	[sflag:s17] =	ssyncadd.s32 $0xFFFFE000;
	s29 =	smov.u32 s30;
	s28 =	sadd.s32 $0x1000, s30  }
0x80: {  	[tilespmem:s22], [sflag:$0x2] =	stream.indirect.gather [spmem:s2], $0x40, s31, s20, $0xb8;
	[tilespmem:$0x1EC00] =	vst v63  }
0x81: {  	p0 =	sne.s32 s30, $0x9000;
	_ =	swait.ge [sflag:s23], $0x2000  }
0x82: {  	[sflag:s23] =	ssyncset.done $0x0  }
0x83: {  	s30 =	sadd.s32 $0x2800, s25;
	[sflag:s23] =	ssyncadd.s32 $0xFFFFE000  }
0x84: {  	[spmem:s3] =	stream.indirect.scatter.add.f32 [tilespmem:s21], [sflag:$0x3], $0x40, s30, s20, $0xb8;
	[tilespmem:$0x1EC00] =	vst v63  }
0x85: {  	_ =	swait.ge [sflag:s17], $0x2000  }
0x86: {  	[sflag:s17] =	ssyncset.done $0x0  }
0x87: {  	s30 =	sadd.s32 $0x100, s25;
	[sflag:s17] =	ssyncadd.s32 $0xFFFFE000  }
0x88: {  	[tilespmem:s21], [sflag:$0x1] =	stream.indirect.gather [spmem:s2], $0x40, s30, s20, $0xb8;
	[tilespmem:$0x1EC00] =	vst v63  }
0x89: {  	_ =	swait.ge [sflag:s24], $0x2000  }
0x8a: {  	[sflag:s24] =	ssyncset.done $0x0  }
0x8b: {  	s30 =	sadd.s32 $0x2880, s25;
	[sflag:s24] =	ssyncadd.s32 $0xFFFFE000  }
0x8c: {  	[spmem:s3] =	stream.indirect.scatter.add.f32 [tilespmem:s22], [sflag:$0x3], $0x40, s30, s20, $0xb8;
	[tilespmem:$0x1EC00] =	vst v63  }
0x8d: {  	_ =	swait.ge [sflag:s17], $0x2000  }
0x8e: {  	[sflag:s17] =	ssyncset.done $0x0  }
0x8f: {  	s30 =	sadd.s32 $0x180, s25;
	[sflag:s17] =	ssyncadd.s32 $0xFFFFE000  }
0x90: {  	[tilespmem:s22], [sflag:$0x2] =	stream.indirect.gather [spmem:s2], $0x40, s30, s20, $0xb8;
	[tilespmem:$0x1EC00] =	vst v63  }
0x91: {  	_ =	swait.ge [sflag:s23], $0x2000  }
0x92: {  	[sflag:s23] =	ssyncset.done $0x0  }
0x93: {  	s30 =	sadd.s32 $0x2900, s25;
	[sflag:s23] =	ssyncadd.s32 $0xFFFFE000  }
0x94: {  	[spmem:s3] =	stream.indirect.scatter.add.f32 [tilespmem:s21], [sflag:$0x3], $0x40, s30, s20, $0xb8;
	[tilespmem:$0x1EC00] =	vst v63  }
0x95: {  	_ =	swait.ge [sflag:s17], $0x2000  }
0x96: {  	[sflag:s17] =	ssyncset.done $0x0  }
0x97: {  	s30 =	sadd.s32 $0x200, s25;
	[sflag:s17] =	ssyncadd.s32 $0xFFFFE000  }
0x98: {  	[tilespmem:s21], [sflag:$0x1] =	stream.indirect.gather [spmem:s2], $0x40, s30, s20, $0xb8;
	[tilespmem:$0x1EC00] =	vst v63  }
0x99: {  	_ =	swait.ge [sflag:s24], $0x2000  }
0x9a: {  	[sflag:s24] =	ssyncset.done $0x0  }
0x9b: {  	s30 =	sadd.s32 $0x2980, s25;
	[sflag:s24] =	ssyncadd.s32 $0xFFFFE000  }
0x9c: {  	[spmem:s3] =	stream.indirect.scatter.add.f32 [tilespmem:s22], [sflag:$0x3], $0x40, s30, s20, $0xb8;
	[tilespmem:$0x1EC00] =	vst v63  }
0x9d: {  	_ =	swait.ge [sflag:s17], $0x2000  }
0x9e: {  	[sflag:s17] =	ssyncset.done $0x0  }
0x9f: {  	s30 =	sadd.s32 $0x280, s25;
	[sflag:s17] =	ssyncadd.s32 $0xFFFFE000  }
0xa0: {  	[tilespmem:s22], [sflag:$0x2] =	stream.indirect.gather [spmem:s2], $0x40, s30, s20, $0xb8;
	[tilespmem:$0x1EC00] =	vst v63  }
0xa1: {  	_ =	swait.ge [sflag:s23], $0x2000  }
0xa2: {  	[sflag:s23] =	ssyncset.done $0x0  }
0xa3: {  	s30 =	sadd.s32 $0x2A00, s25;
	[sflag:s23] =	ssyncadd.s32 $0xFFFFE000  }
0xa4: {  	[spmem:s3] =	stream.indirect.scatter.add.f32 [tilespmem:s21], [sflag:$0x3], $0x40, s30, s20, $0xb8;
	[tilespmem:$0x1EC00] =	vst v63  }
0xa5: {  	_ =	swait.ge [sflag:s17], $0x2000  }
0xa6: {  	[sflag:s17] =	ssyncset.done $0x0  }
0xa7: {  	s30 =	sadd.s32 $0x300, s25;
	[sflag:s17] =	ssyncadd.s32 $0xFFFFE000  }
0xa8: {  	[tilespmem:s21], [sflag:$0x1] =	stream.indirect.gather [spmem:s2], $0x40, s30, s20, $0xb8;
	[tilespmem:$0x1EC00] =	vst v63  }
0xa9: {  	_ =	swait.ge [sflag:s24], $0x2000  }
0xaa: {  	[sflag:s24] =	ssyncset.done $0x0  }
0xab: {  	s30 =	sadd.s32 $0x2A80, s25;
	[sflag:s24] =	ssyncadd.s32 $0xFFFFE000  }
0xac: {  	[spmem:s3] =	stream.indirect.scatter.add.f32 [tilespmem:s22], [sflag:$0x3], $0x40, s30, s20, $0xb8;
	[tilespmem:$0x1EC00] =	vst v63  }
0xad: {  	_ =	swait.ge [sflag:s17], $0x2000  }
0xae: {  	[sflag:s17] =	ssyncset.done $0x0  }
0xaf: {  	s30 =	sadd.s32 $0x380, s25;
	[sflag:s17] =	ssyncadd.s32 $0xFFFFE000  }
0xb0: {  	[tilespmem:s22], [sflag:$0x2] =	stream.indirect.gather [spmem:s2], $0x40, s30, s20, $0xb8;
	[tilespmem:$0x1EC00] =	vst v63  }
0xb1: {  	_ =	swait.ge [sflag:s23], $0x2000  }
0xb2: {  	[sflag:s23] =	ssyncset.done $0x0  }
0xb3: {  	s30 =	sadd.s32 $0x2B00, s25;
	[sflag:s23] =	ssyncadd.s32 $0xFFFFE000  }
0xb4: {  	[spmem:s3] =	stream.indirect.scatter.add.f32 [tilespmem:s21], [sflag:$0x3], $0x40, s30, s20, $0xb8;
	[tilespmem:$0x1EC00] =	vst v63  }
0xb5: {  	s30 =	smin.u32 s26, $0x47;
	_ =	swait.ge [sflag:s17], $0x2000  }
0xb6: {  	s30 =	sshll.u32 s30, $0x7;
	[sflag:s17] =	ssyncset.done $0x0  }
0xb7: {  	s30 =	sadd.s32 $0x400, s30;
	[sflag:s17] =	ssyncadd.s32 $0xFFFFE000  }
0xb8: {  	[tilespmem:s21], [sflag:$0x1] =	stream.indirect.gather [spmem:s2], $0x40, s30, s20, $0xb8;
	[tilespmem:$0x1EC00] =	vst v63  }
0xb9: {  	_ =	swait.ge [sflag:s24], $0x2000  }
.Ltmp1:
0xba: {  	[sflag:s24] =	ssyncset.done $0x0;
	(pc) =	sbr.rel @p0 .LBB2_4-.Ltmp1, $4  }
0xbb: {  	s25 =	sadd.s32 $0x2B80, s25;
	[sflag:s24] =	ssyncadd.s32 $0xFFFFE000  }
0xbc: {  	[spmem:s3] =	stream.indirect.scatter.add.f32 [tilespmem:s22], [sflag:$0x3], $0x40, s25, s20, $0xb8;
	[tilespmem:$0x1EC00] =	vst v63  }
0xbd: {  	s26 =	sadd.s32 $0x8, s26;
	_ =	swait.ge [sflag:s17], $0x2000  }
0xbe: {  	s30 =	smov.u32 s28;
	s25 =	sshra.s32 s29, $0x2;
	[sflag:s17] =	ssyncset.done $0x0  }
0xbf: {  	s28 =	sadd.s32 $0x80, s25;
	[sflag:s17] =	ssyncadd.s32 $0xFFFFE000  }
0xc0: {  	[tilespmem:s22], [sflag:$0x2] =	stream.indirect.gather [spmem:s2], $0x40, s28, s20, $0xb8;
	[tilespmem:$0x1EC00] =	vst v63  }
0xc1: {  	_ =	swait.ge [sflag:s23], $0x2000  }
0xc2: {  	[sflag:s23] =	ssyncset.done $0x0  }
0xc3: {  	s29 =	sadd.s32 $0x2800, s25;
	[sflag:s23] =	ssyncadd.s32 $0xFFFFE000  }
0xc4: {  	[spmem:s3] =	stream.indirect.scatter.add.f32 [tilespmem:s21], [sflag:$0x3], $0x40, s29, s20, $0xb8;
	[tilespmem:$0x1EC00] =	vst v63  }
0xc5: {  	_ =	swait.ge [sflag:s17], $0x2000  }
0xc6: {  	[sflag:s17] =	ssyncset.done $0x0  }
0xc7: {  	s30 =	sadd.s32 $0x100, s25;
	[sflag:s17] =	ssyncadd.s32 $0xFFFFE000  }
0xc8: {  	[tilespmem:s21], [sflag:$0x1] =	stream.indirect.gather [spmem:s2], $0x40, s30, s20, $0xb8;
	[tilespmem:$0x1EC00] =	vst v63  }
0xc9: {  	_ =	swait.ge [sflag:s24], $0x2000  }
0xca: {  	[sflag:s24] =	ssyncset.done $0x0  }
0xcb: {  	s31 =	sadd.s32 $0x2880, s25;
	[sflag:s24] =	ssyncadd.s32 $0xFFFFE000  }
0xcc: {  	[spmem:s3] =	stream.indirect.scatter.add.f32 [tilespmem:s22], [sflag:$0x3], $0x40, s31, s20, $0xb8;
	[tilespmem:$0x1EC00] =	vst v63  }
0xcd: {  	_ =	swait.ge [sflag:s17], $0x2000  }
0xce: {  	[sflag:s17] =	ssyncset.done $0x0  }
0xcf: {  	s29 =	sadd.s32 $0x180, s25;
	[sflag:s17] =	ssyncadd.s32 $0xFFFFE000  }
0xd0: {  	[tilespmem:s22], [sflag:$0x2] =	stream.indirect.gather [spmem:s2], $0x40, s29, s20, $0xb8;
	[tilespmem:$0x1EC00] =	vst v63  }
0xd1: {  	_ =	swait.ge [sflag:s23], $0x2000  }
0xd2: {  	[sflag:s23] =	ssyncset.done $0x0  }
0xd3: {  	s30 =	sadd.s32 $0x2900, s25;
	[sflag:s23] =	ssyncadd.s32 $0xFFFFE000  }
0xd4: {  	[spmem:s3] =	stream.indirect.scatter.add.f32 [tilespmem:s21], [sflag:$0x3], $0x40, s30, s20, $0xb8;
	[tilespmem:$0x1EC00] =	vst v63  }
0xd5: {  	_ =	swait.ge [sflag:s17], $0x2000  }
0xd6: {  	[sflag:s17] =	ssyncset.done $0x0  }
0xd7: {  	s31 =	sadd.s32 $0x200, s25;
	[sflag:s17] =	ssyncadd.s32 $0xFFFFE000  }
0xd8: {  	[tilespmem:s21], [sflag:$0x1] =	stream.indirect.gather [spmem:s2], $0x40, s31, s20, $0xb8;
	[tilespmem:$0x1EC00] =	vst v63  }
0xd9: {  	_ =	swait.ge [sflag:s24], $0x2000  }
0xda: {  	[sflag:s24] =	ssyncset.done $0x0  }
0xdb: {  	s29 =	sadd.s32 $0x2980, s25;
	[sflag:s24] =	ssyncadd.s32 $0xFFFFE000  }
0xdc: {  	[spmem:s3] =	stream.indirect.scatter.add.f32 [tilespmem:s22], [sflag:$0x3], $0x40, s29, s20, $0xb8;
	[tilespmem:$0x1EC00] =	vst v63  }
0xdd: {  	_ =	swait.ge [sflag:s17], $0x2000  }
0xde: {  	[sflag:s17] =	ssyncset.done $0x0  }
0xdf: {  	s30 =	sadd.s32 $0x280, s25;
	[sflag:s17] =	ssyncadd.s32 $0xFFFFE000  }
0xe0: {  	[tilespmem:s22], [sflag:$0x2] =	stream.indirect.gather [spmem:s2], $0x40, s30, s20, $0xb8;
	[tilespmem:$0x1EC00] =	vst v63  }
0xe1: {  	_ =	swait.ge [sflag:s23], $0x2000  }
0xe2: {  	[sflag:s23] =	ssyncset.done $0x0  }
0xe3: {  	s31 =	sadd.s32 $0x2A00, s25;
	[sflag:s23] =	ssyncadd.s32 $0xFFFFE000  }
0xe4: {  	[spmem:s3] =	stream.indirect.scatter.add.f32 [tilespmem:s21], [sflag:$0x3], $0x40, s31, s20, $0xb8;
	[tilespmem:$0x1EC00] =	vst v63  }
0xe5: {  	_ =	swait.ge [sflag:s17], $0x2000  }
0xe6: {  	[sflag:s17] =	ssyncset.done $0x0  }
0xe7: {  	s29 =	sadd.s32 $0x300, s25;
	[sflag:s17] =	ssyncadd.s32 $0xFFFFE000  }
0xe8: {  	[tilespmem:s21], [sflag:$0x1] =	stream.indirect.gather [spmem:s2], $0x40, s29, s20, $0xb8;
	[tilespmem:$0x1EC00] =	vst v63  }
0xe9: {  	_ =	swait.ge [sflag:s24], $0x2000  }
0xea: {  	[sflag:s24] =	ssyncset.done $0x0  }
0xeb: {  	s30 =	sadd.s32 $0x2A80, s25;
	[sflag:s24] =	ssyncadd.s32 $0xFFFFE000  }
0xec: {  	[spmem:s3] =	stream.indirect.scatter.add.f32 [tilespmem:s22], [sflag:$0x3], $0x40, s30, s20, $0xb8;
	[tilespmem:$0x1EC00] =	vst v63  }
0xed: {  	_ =	swait.ge [sflag:s17], $0x2000  }
0xee: {  	[sflag:s17] =	ssyncset.done $0x0  }
0xef: {  	s31 =	sadd.s32 $0x380, s25;
	[sflag:s17] =	ssyncadd.s32 $0xFFFFE000  }
0xf0: {  	[tilespmem:s22], [sflag:$0x2] =	stream.indirect.gather [spmem:s2], $0x40, s31, s20, $0xb8;
	[tilespmem:$0x1EC00] =	vst v63  }
0xf1: {  	_ =	swait.ge [sflag:s23], $0x2000  }
0xf2: {  	[sflag:s23] =	ssyncset.done $0x0  }
0xf3: {  	s29 =	sadd.s32 $0x2B00, s25;
	[sflag:s23] =	ssyncadd.s32 $0xFFFFE000  }
0xf4: {  	[spmem:s3] =	stream.indirect.scatter.add.f32 [tilespmem:s21], [sflag:$0x3], $0x40, s29, s20, $0xb8;
	[tilespmem:$0x1EC00] =	vst v63  }
0xf5: {  	s26 =	smin.u32 s26, $0x47;
	_ =	swait.ge [sflag:s17], $0x2000  }
0xf6: {  	s26 =	sshll.u32 s26, $0x7;
	[sflag:s17] =	ssyncset.done $0x0  }
0xf7: {  	s26 =	sadd.s32 $0x400, s26;
	[sflag:s17] =	ssyncadd.s32 $0xFFFFE000  }
0xf8: {  	[tilespmem:s21], [sflag:$0x1] =	stream.indirect.gather [spmem:s2], $0x40, s26, s20, $0xb8;
	[tilespmem:$0x1EC00] =	vst v63  }
0xf9: {  	_ =	swait.ge [sflag:s24], $0x2000  }
0xfa: {  	[sflag:s24] =	ssyncset.done $0x0  }
0xfb: {  	s30 =	sadd.s32 $0x2B80, s25;
	[sflag:s24] =	ssyncadd.s32 $0xFFFFE000  }
0xfc: {  	[spmem:s3] =	stream.indirect.scatter.add.f32 [tilespmem:s22], [sflag:$0x3], $0x40, s30, s20, $0xb8;
	[tilespmem:$0x1EC00] =	vst v63  }
0xfd: {  	_ =	swait.ge [sflag:s17], $0x2000  }
0xfe: {  	[sflag:s17] =	ssyncset.done $0x0  }
0xff: {  	[sflag:s17] =	ssyncadd.s32 $0xFFFFE000  }
0x100: {  	_ =	swait.ge [sflag:s23], $0x2000  }
0x101: {  	s4 =	sadd.s32 $0x1, s4;
	[sflag:s23] =	ssyncset.done $0x0  }
0x102: {  	p0 =	sne.s32 s4, s15;
	[sflag:s23] =	ssyncadd.s32 $0xFFFFE000  }
.Ltmp2:
0x103: {  	s31 =	sshrl.u32 s7, $0x3;
	[bflag:$0x0] =	sbarrier.arrive $0xFFFF;
	(pc) =	sbr.rel @p0 .LBB2_1-.Ltmp2, $4  }
0x104: {  	[hbm:s14], [sflag:s6] =	dma.local [spmem:s31], $0x13C0  }
0x105: {  	_ =	swait.ge [sflag:s17], $0x13C0  }
0x106: {  	[sflag:s17] =	ssyncset.done $0x0  }
0x107: {  	[sflag:s17] =	ssyncadd.s32 $0xFFFFEC40  }
0x108: {  	_ =	sfence.sel $0x180000  }
0x109: {  	[bflag:$0x0] =	sbarrier.arrive $0xFFFF  }
0x10a: {  	p0 =	sne.s32 s0, $0x0;
	_ =	strace $0x90000047  }
0x10b: {  	s0 =	sadd.s32 @!p0 $0x100000, s1;
	[bflag:$0x2] =	sbarrier.arrive $0xFFFF  }
0x10c: {  	[sflag:s0] =	ssyncadd.tile.s32 @!p0 $0x1;
	_ =	shalt  }
.Lfunc_end2:
_tile_overlayer_lowered:
.L_overlay_start_2:
0x10d: {  	(tag) =	ssettag $0x2  }
0x10e: {  	s0 =	rddreg [dreg:$0x0];
	s2 =	stileid.u32  }
0x10f: {  	s1 =	rddreg [dreg:$0x1];
	p0 =	sne.s32 s2, $0x0  }
0x110: {  	s3 =	rddreg [dreg:$0x2];
	[bflag:$0x3] =	sbarrier.arrive $0xFFFF;
	s2 =	simm.s32 @!p0 $0x1C03  }
0x111: {  	[timem:s3], [sflag:s2] =	dma.local @!p0 [hbm:s0], s1  }
0x112: {  	s0 =	simm.s32 @!p0 $0x3  }
0x113: {  	_ =	swait.ge @!p0 [sflag:s0], s1  }
0x114: {  	s1 =	ssub.s32 @!p0 $0x0, s1;
	[sflag:s0] =	ssyncset.done @!p0 $0x0  }
0x115: {  	[sflag:s0] =	ssyncadd.s32 @!p0 s1  }
0x116: {  	[bflag:$0x3] =	sbarrier.arrive $0xFFFF  }
0x117: {  	_ =	shalt  }

</sc_bundles>
